<compile_context>
chip_gen: v7x
topology: tpu7x:2x2x1
jax: 0.10.2.dev20260603
libtpu: 0.0.44.dev20260713+nightly
codegen_flags: <defaults>
</compile_context>

<pallas_src>
import jax
import jax.numpy as jnp
from jax import lax
from jax.experimental import pallas as pl
from jax.experimental.pallas import tpu as pltpu
from jax.experimental.pallas import tpu_sc as plsc

N = 10000
E = 65536
D_IN = 1024
D_HID = 256
HALF = 128
D_OUT = 1024
NG = 64

NC = 2
NS = 16
TROWS = 640
TROWS_LAST = N - (NS - 1) * TROWS
K = 128
CH_AGG = E // NS // K
CH_DEG = E // (NC * NS) // K

_mesh = plsc.VectorSubcoreMesh(core_axis_name="c", subcore_axis_name="s")


def _tile_copy(sid, mk_src, mk_dst):
    @pl.when(sid < NS - 1)
    def _main():
        r0 = pl.multiple_of(sid * TROWS, 8)
        pltpu.sync_copy(mk_src(r0, TROWS), mk_dst(r0, TROWS))

    @pl.when(sid == NS - 1)
    def _last():
        r0 = (NS - 1) * TROWS
        pltpu.sync_copy(mk_src(r0, TROWS_LAST), mk_dst(r0, TROWS_LAST))


def _deg_body(dst4, ones_hbm, z16, out, idx_d, ones_v, sem, acc):
    cid = lax.axis_index("c")
    sid = lax.axis_index("s")
    _tile_copy(sid,
               lambda r0, n: z16.at[pl.ds(0, n)],
               lambda r0, n: acc.at[pl.ds(r0, n)])
    pltpu.sync_copy(dst4.at[cid, sid], idx_d)
    pltpu.sync_copy(ones_hbm, ones_v)
    plsc.subcore_barrier()

    def chunk(g, carry):
        pltpu.sync_copy(ones_v, acc.at[idx_d.at[g]], add=True)
        return carry

    lax.fori_loop(0, CH_DEG, chunk, 0)
    plsc.subcore_barrier()
    _tile_copy(sid,
               lambda r0, n: acc.at[pl.ds(r0, n)],
               lambda r0, n: out.at[cid, pl.ds(r0, n)])


_deg_call = pl.kernel(
    _deg_body,
    out_type=jax.ShapeDtypeStruct((NC, N, 16), jnp.float32),
    mesh=_mesh,
    compiler_params=pltpu.CompilerParams(use_tc_tiling_on_sc=False),
    scratch_types=[
        pltpu.VMEM((CH_DEG, K), jnp.int32),
        pltpu.VMEM((K, 16), jnp.float32),
        pltpu.SemaphoreType.DMA,
        pltpu.VMEM_SHARED((N, 16), jnp.float32),
    ],
)


_NBUF = 2


def _agg_body(ut, src2, dstw, out, idx_s, idx_d, m0, m1,
              zsem, gsems, acc):
    msgs = [m0, m1]
    cid = lax.axis_index("c")
    sid = lax.axis_index("s")
    pltpu.sync_copy(src2.at[cid, sid], idx_s)
    pltpu.sync_copy(dstw.at[sid], idx_d)
    @pl.when(sid < NS - 1)
    def _zmain():
        r0 = pl.multiple_of(sid * TROWS, 8)
        pltpu.async_copy(ut.at[pl.ds(pl.multiple_of(cid * N + r0, 8), TROWS)],
                         acc.at[pl.ds(r0, TROWS)], zsem)

    @pl.when(sid == NS - 1)
    def _zlast():
        r0 = (NS - 1) * TROWS
        pltpu.async_copy(ut.at[pl.ds(cid * N + r0, TROWS_LAST)],
                         acc.at[pl.ds(r0, TROWS_LAST)], zsem)

    for b in range(_NBUF):
        pltpu.async_copy(ut.at[idx_s.at[b]], msgs[b], gsems[b])

    @pl.when(sid < NS - 1)
    def _zwmain():
        r0 = pl.multiple_of(sid * TROWS, 8)
        pltpu.make_async_copy(ut.at[pl.ds(pl.multiple_of(cid * N + r0, 8),
                                          TROWS)],
                              acc.at[pl.ds(r0, TROWS)], zsem).wait()

    @pl.when(sid == NS - 1)
    def _zwlast():
        r0 = (NS - 1) * TROWS
        pltpu.make_async_copy(ut.at[pl.ds(cid * N + r0, TROWS_LAST)],
                              acc.at[pl.ds(r0, TROWS_LAST)], zsem).wait()

    plsc.subcore_barrier()

    def pair(j, carry):
        c0 = _NBUF * j
        for b in range(_NBUF):
            c = c0 + b
            pltpu.make_async_copy(ut.at[idx_s.at[c]], msgs[b],
                                  gsems[b]).wait()
            pltpu.sync_copy(msgs[b], acc.at[idx_d.at[c]], add=True)
            nxt = lax.rem(c + _NBUF, CH_AGG)
            pltpu.async_copy(ut.at[idx_s.at[nxt]], msgs[b], gsems[b])
        return carry

    lax.fori_loop(0, CH_AGG // _NBUF, pair, 0)
    for b in range(_NBUF):
        pltpu.make_async_copy(ut.at[idx_s.at[b]], msgs[b],
                              gsems[b]).wait()
    plsc.subcore_barrier()
    _tile_copy(sid,
               lambda r0, n: acc.at[pl.ds(r0, n)],
               lambda r0, n: out.at[pl.ds(pl.multiple_of(cid * N + r0, 8), n)])


_agg_call = pl.kernel(
    _agg_body,
    out_type=jax.ShapeDtypeStruct((NC * N, HALF), jnp.float32),
    mesh=_mesh,
    scratch_types=[
        pltpu.VMEM((CH_AGG, K), jnp.int32),
        pltpu.VMEM((CH_AGG, K), jnp.int32),
        pltpu.VMEM((K, HALF), jnp.float32),
        pltpu.VMEM((K, HALF), jnp.float32),
        pltpu.SemaphoreType.DMA,
        [pltpu.SemaphoreType.DMA] * _NBUF,
        pltpu.VMEM_SHARED((N, HALF), jnp.float32),
    ],
)


_RB = 1000


def _fused1_body(degp_ref, x_ref, w_ref, dinv_ref, ut_ref):
    deg = degp_ref[0] + degp_ref[1] + 1.0
    dinv = lax.rsqrt(deg)
    dinv_ref[...] = dinv
    xw = jnp.dot(x_ref[...].astype(jnp.bfloat16),
                 w_ref[...].astype(jnp.bfloat16),
                 preferred_element_type=jnp.float32)
    u = xw * dinv[:, :1]
    ut_ref[0] = u[:, :HALF]
    ut_ref[1] = u[:, HALF:]


def _fused1_call(degp, x, w):
    return pl.pallas_call(
        _fused1_body,
        grid=(N // _RB,),
        in_specs=[
            pl.BlockSpec((NC, _RB, 16), lambda i: (0, i, 0)),
            pl.BlockSpec((_RB, D_IN), lambda i: (i, 0)),
            pl.BlockSpec((D_IN, D_HID), lambda i: (0, 0)),
        ],
        out_specs=[
            pl.BlockSpec((_RB, 16), lambda i: (i, 0)),
            pl.BlockSpec((NC, _RB, HALF), lambda i: (0, i, 0)),
        ],
        out_shape=[
            jax.ShapeDtypeStruct((N, 16), jnp.float32),
            jax.ShapeDtypeStruct((NC, N, HALF), jnp.float32),
        ],
    )(degp, x, w)


def _layer1_body(s1_ref, dinv_ref, b1_ref, ut2_ref):
    d1 = dinv_ref[:, :1]
    for c in range(NC):
        h = d1 * s1_ref[c] + b1_ref[:, pl.ds(c * HALF, HALF)]
        ut2_ref[c] = d1 * jnp.maximum(h, 0.0)


def _layer1_call(s1, dinv, b1r):
    return pl.pallas_call(
        _layer1_body,
        grid=(N // _RB,),
        in_specs=[
            pl.BlockSpec((NC, _RB, HALF), lambda i: (0, i, 0)),
            pl.BlockSpec((_RB, 16), lambda i: (i, 0)),
            pl.BlockSpec((1, D_HID), lambda i: (0, 0)),
        ],
        out_specs=pl.BlockSpec((NC, _RB, HALF), lambda i: (0, i, 0)),
        out_shape=jax.ShapeDtypeStruct((NC, N, HALF), jnp.float32),
    )(s1, dinv, b1r)


def _pool_body(s2_ref, dinv_ref, batch_ref, w2_ref, b2_ref,
               out_ref, acc_ref, cnt_ref):
    i = pl.program_id(0)

    @pl.when(i == 0)
    def _init():
        acc_ref[...] = jnp.zeros_like(acc_ref)
        cnt_ref[...] = jnp.zeros_like(cnt_ref)

    d1 = dinv_ref[:, :1]
    b = batch_ref[0, 0, :]
    onehot_t = (lax.broadcasted_iota(jnp.int32, (NG, _RB), 0)
                == b[None, :]).astype(jnp.float32)
    for c in range(NC):
        v = d1 * s2_ref[c]
        acc_ref[:, pl.ds(c * HALF, HALF)] += jnp.dot(
            onehot_t, v, preferred_element_type=jnp.float32)
    cnt_ref[...] += jnp.sum(onehot_t, axis=1, keepdims=True)

    @pl.when(i == (N // _RB) - 1)
    def _fin():
        cnt = cnt_ref[:, :1]
        mean = acc_ref[...] / jnp.maximum(cnt, 1.0)
        o = jnp.dot(mean, w2_ref[...],
                    preferred_element_type=jnp.float32) + b2_ref[...]
        out_ref[...] = jnp.where(cnt > 0.0, o, 0.0)


def _pool_call(s2, dinv, batchr, w2, b2r):
    return pl.pallas_call(
        _pool_body,
        grid=(N // _RB,),
        in_specs=[
            pl.BlockSpec((NC, _RB, HALF), lambda i: (0, i, 0)),
            pl.BlockSpec((_RB, 16), lambda i: (i, 0)),
            pl.BlockSpec((1, 1, _RB), lambda i: (i, 0, 0)),
            pl.BlockSpec((D_HID, D_OUT), lambda i: (0, 0)),
            pl.BlockSpec((1, D_OUT), lambda i: (0, 0)),
        ],
        out_specs=pl.BlockSpec((NG, D_OUT), lambda i: (0, 0)),
        out_shape=jax.ShapeDtypeStruct((NG, D_OUT), jnp.float32),
        scratch_shapes=[
            pltpu.VMEM((NG, D_HID), jnp.float32),
            pltpu.VMEM((NG, HALF), jnp.float32),
        ],
    )(s2, dinv, batchr, w2, b2r)


@jax.jit
def kernel(x, edge_index, batch, W1, b1, W2, b2):
    src = edge_index[0]
    dst = edge_index[1]
    src2 = jnp.stack([src, src + N]).reshape(NC, NS, CH_AGG, K)
    dstw = dst.reshape(NS, CH_AGG, K)
    dst4 = dst.reshape(NC, NS, CH_DEG, K)
    ones16 = jnp.ones((K, 16), jnp.float32)
    z16 = jnp.zeros((TROWS, 16), jnp.float32)

    degp = _deg_call(dst4, ones16, z16)
    dinv, ut1 = _fused1_call(degp, x, W1)
    s1 = _agg_call(ut1.reshape(NC * N, HALF), src2, dstw)
    ut2 = _layer1_call(s1.reshape(NC, N, HALF), dinv,
                       b1.reshape(1, D_HID))
    s2 = _agg_call(ut2.reshape(NC * N, HALF), src2, dstw)
    return _pool_call(s2.reshape(NC, N, HALF), dinv,
                      batch.reshape(N // _RB, 1, _RB), W2,
                      b2.reshape(1, D_OUT))

# --- scband reference (transcript-rebuilt; emitter-appended) ---
"""Pipeline reference for scband-gnn-75986561401428 (READ-ONLY COPY).

The authoritative reference and input builder live on the scoring server;
editing this copy changes nothing except your own understanding.
"""

import jax, jax.numpy as jnp
import numpy as np

N = 10000
E = 65536
D_IN = 1024
D_HID = 256
D_OUT = 1024
NUM_GRAPHS = 64


def setup_inputs(seed: int = 0) -> dict:
    key = jax.random.key(seed)
    ks = jax.random.split(key, 8)
    x = jax.random.normal(ks[0], (N, D_IN), dtype=jnp.float32)
    edge_index = jax.random.randint(ks[1], (2, E), 0, N, dtype=jnp.int32)
    batch = jnp.sort(jax.random.randint(ks[2], (N,), 0, NUM_GRAPHS, dtype=jnp.int32))
    W1 = jax.random.normal(ks[3], (D_IN, D_HID), dtype=jnp.float32) * (1.0 / np.sqrt(D_IN))
    b1 = jnp.zeros((D_HID,), dtype=jnp.float32)
    W2 = jax.random.normal(ks[4], (D_HID, D_OUT), dtype=jnp.float32) * (1.0 / np.sqrt(D_HID))
    b2 = jnp.zeros((D_OUT,), dtype=jnp.float32)
    return {"x": x, "edge_index": edge_index, "batch": batch, "W1": W1, "b1": b1, "W2": W2, "b2": b2}


def _gcn_conv(x, src, dst, W, b):
    # PyG GCNConv: linear -> add self loops -> sym-normalized scatter-add -> bias
    h = x @ W
    num_nodes = x.shape[0]
    loop = jnp.arange(num_nodes, dtype=src.dtype)
    s = jnp.concatenate([src, loop])
    d = jnp.concatenate([dst, loop])
    ones = jnp.ones((d.shape[0],), dtype=h.dtype)
    deg = jax.ops.segment_sum(ones, d, num_segments=num_nodes)
    dinv = jnp.where(deg > 0, jax.lax.rsqrt(deg), 0.0)
    norm = dinv[s] * dinv[d]
    msg = h[s] * norm[:, None]
    out = jax.ops.segment_sum(msg, d, num_segments=num_nodes)
    return out + b


def reference(x, edge_index, batch, W1, b1, W2, b2):
    src, dst = edge_index[0], edge_index[1]
    h = _gcn_conv(x, src, dst, W1, b1)
    h = jax.nn.relu(h)
    h = _gcn_conv(h, src, dst, W2, b2)
    # global_mean_pool over graph ids
    sums = jax.ops.segment_sum(h, batch, num_segments=NUM_GRAPHS)
    cnt = jax.ops.segment_sum(jnp.ones((h.shape[0],), dtype=h.dtype), batch, num_segments=NUM_GRAPHS)
    return sums / jnp.clip(cnt, 1.0)[:, None]

if __name__ == "__main__":
    import jax
    _d = setup_inputs()
    print(jax.jit(kernel)(*tuple(_d.values())))

</pallas_src>

<mosaic_0001>
#map = affine_map<(d0, d1) -> (0, 0)>
#map1 = affine_map<(d0, d1) -> (0, 0, 0, 0)>
#map2 = affine_map<(d0, d1) -> (0, 0, 0)>
module attributes {stable_mosaic.version = 14 : i64} {
  func.func @_agg_body(%arg0: i32, %arg1: i32, %arg2: memref<20000x128xf32, #tpu.memory_space<hbm>>, %arg3: memref<2x16x32x128xi32, #tpu.memory_space<hbm>>, %arg4: memref<16x32x128xi32, #tpu.memory_space<hbm>>, %arg5: memref<20000x128xf32, #tpu.memory_space<hbm>>, %arg6: memref<32x128xi32, #tpu.memory_space<vmem>>, %arg7: memref<32x128xi32, #tpu.memory_space<vmem>>, %arg8: memref<128x128xf32, #tpu.memory_space<vmem>>, %arg9: memref<128x128xf32, #tpu.memory_space<vmem>>, %arg10: memref<!tpu.dma_semaphore, #tpu.memory_space<semaphore_mem>>, %arg11: memref<!tpu.dma_semaphore, #tpu.memory_space<semaphore_mem>>, %arg12: memref<!tpu.dma_semaphore, #tpu.memory_space<semaphore_mem>>, %arg13: memref<10000x128xf32, #tpu.memory_space<vmem_shared>>) attributes {dimension_semantics = [#tpu.dimension_semantics<core_parallel>, #tpu.dimension_semantics<subcore_parallel>], iteration_bounds = array<i64: 2, 16>, scalar_prefetch = 0 : i64, scratch_operands = 8 : i64, tpu.core_type = #tpu.core_type<sc_vector_subcore>, window_params = [{transform_indices = #map}, {transform_indices = #map1}, {transform_indices = #map2}, {transform_indices = #map}]} {
    "tpu.region"() ({
      %run_scoped3A = tpu.sem_alloc : memref<!tpu.dma_semaphore, #tpu.memory_space<semaphore_mem>>
      %dma_start3A_58 = arith.constant 0 : i32
      %dma_start3A_59 = arith.constant 0 : i32
      %dma_start3A_60 = tpu.memref_slice %arg3[%arg0, %arg1, %dma_start3A_58, %dma_start3A_59] : memref<2x16x32x128xi32, #tpu.memory_space<hbm>> -> memref<1x1x32x128xi32, #tpu.memory_space<hbm>>
      %dma_start3A_61 = tpu.memref_squeeze %dma_start3A_60 : memref<1x1x32x128xi32, #tpu.memory_space<hbm>> -> memref<32x128xi32, #tpu.memory_space<hbm>>
      %dma_start3A_62 = arith.constant 0 : i32
      %dma_start3A_63 = arith.constant 0 : i32
      %dma_start3A_64 = tpu.memref_slice %arg3[%arg0, %arg1, %dma_start3A_62, %dma_start3A_63] : memref<2x16x32x128xi32, #tpu.memory_space<hbm>> -> memref<1x1x32x128xi32, #tpu.memory_space<hbm>>
      %dma_start3A_65 = tpu.memref_squeeze %dma_start3A_64 : memref<1x1x32x128xi32, #tpu.memory_space<hbm>> -> memref<32x128xi32, #tpu.memory_space<hbm>>
      tpu.enqueue_dma source(%dma_start3A_65 : memref<32x128xi32, #tpu.memory_space<hbm>>) target(%arg6 : memref<32x128xi32, #tpu.memory_space<vmem>>) target_semaphore(%run_scoped3A : memref<!tpu.dma_semaphore, #tpu.memory_space<semaphore_mem>>)
      %dma_wait3A_66 = arith.constant 0 : i32
      %dma_wait3A_67 = arith.constant 0 : i32
      %dma_wait3A_68 = tpu.memref_slice %arg3[%arg0, %arg1, %dma_wait3A_66, %dma_wait3A_67] : memref<2x16x32x128xi32, #tpu.memory_space<hbm>> -> memref<1x1x32x128xi32, #tpu.memory_space<hbm>>
      %dma_wait3A_69 = tpu.memref_squeeze %dma_wait3A_68 : memref<1x1x32x128xi32, #tpu.memory_space<hbm>> -> memref<32x128xi32, #tpu.memory_space<hbm>>
      %dma_wait3A_70 = arith.constant 0 : i32
      %dma_wait3A_71 = arith.constant 0 : i32
      %dma_wait3A_72 = tpu.memref_slice %arg3[%arg0, %arg1, %dma_wait3A_70, %dma_wait3A_71] : memref<2x16x32x128xi32, #tpu.memory_space<hbm>> -> memref<1x1x32x128xi32, #tpu.memory_space<hbm>>
      %dma_wait3A_73 = tpu.memref_squeeze %dma_wait3A_72 : memref<1x1x32x128xi32, #tpu.memory_space<hbm>> -> memref<32x128xi32, #tpu.memory_space<hbm>>
      tpu.wait_dma2 semaphore(%run_scoped3A : memref<!tpu.dma_semaphore, #tpu.memory_space<semaphore_mem>>) src(%dma_wait3A_73 : memref<32x128xi32, #tpu.memory_space<hbm>>) dst(%arg6 : memref<32x128xi32, #tpu.memory_space<vmem>>)
      tpu.yield
    }) : () -> ()
    "tpu.region"() ({
      %run_scoped3A = tpu.sem_alloc : memref<!tpu.dma_semaphore, #tpu.memory_space<semaphore_mem>>
      %dma_start3A_58 = arith.constant 0 : i32
      %dma_start3A_59 = arith.constant 0 : i32
      %dma_start3A_60 = tpu.memref_slice %arg4[%arg1, %dma_start3A_58, %dma_start3A_59] : memref<16x32x128xi32, #tpu.memory_space<hbm>> -> memref<1x32x128xi32, #tpu.memory_space<hbm>>
      %dma_start3A_61 = tpu.memref_squeeze %dma_start3A_60 : memref<1x32x128xi32, #tpu.memory_space<hbm>> -> memref<32x128xi32, #tpu.memory_space<hbm>>
      %dma_start3A_62 = arith.constant 0 : i32
      %dma_start3A_63 = arith.constant 0 : i32
      %dma_start3A_64 = tpu.memref_slice %arg4[%arg1, %dma_start3A_62, %dma_start3A_63] : memref<16x32x128xi32, #tpu.memory_space<hbm>> -> memref<1x32x128xi32, #tpu.memory_space<hbm>>
      %dma_start3A_65 = tpu.memref_squeeze %dma_start3A_64 : memref<1x32x128xi32, #tpu.memory_space<hbm>> -> memref<32x128xi32, #tpu.memory_space<hbm>>
      tpu.enqueue_dma source(%dma_start3A_65 : memref<32x128xi32, #tpu.memory_space<hbm>>) target(%arg7 : memref<32x128xi32, #tpu.memory_space<vmem>>) target_semaphore(%run_scoped3A : memref<!tpu.dma_semaphore, #tpu.memory_space<semaphore_mem>>)
      %dma_wait3A_66 = arith.constant 0 : i32
      %dma_wait3A_67 = arith.constant 0 : i32
      %dma_wait3A_68 = tpu.memref_slice %arg4[%arg1, %dma_wait3A_66, %dma_wait3A_67] : memref<16x32x128xi32, #tpu.memory_space<hbm>> -> memref<1x32x128xi32, #tpu.memory_space<hbm>>
      %dma_wait3A_69 = tpu.memref_squeeze %dma_wait3A_68 : memref<1x32x128xi32, #tpu.memory_space<hbm>> -> memref<32x128xi32, #tpu.memory_space<hbm>>
      %dma_wait3A_70 = arith.constant 0 : i32
      %dma_wait3A_71 = arith.constant 0 : i32
      %dma_wait3A_72 = tpu.memref_slice %arg4[%arg1, %dma_wait3A_70, %dma_wait3A_71] : memref<16x32x128xi32, #tpu.memory_space<hbm>> -> memref<1x32x128xi32, #tpu.memory_space<hbm>>
      %dma_wait3A_73 = tpu.memref_squeeze %dma_wait3A_72 : memref<1x32x128xi32, #tpu.memory_space<hbm>> -> memref<32x128xi32, #tpu.memory_space<hbm>>
      tpu.wait_dma2 semaphore(%run_scoped3A : memref<!tpu.dma_semaphore, #tpu.memory_space<semaphore_mem>>) src(%dma_wait3A_73 : memref<32x128xi32, #tpu.memory_space<hbm>>) dst(%arg7 : memref<32x128xi32, #tpu.memory_space<vmem>>)
      tpu.yield
    }) : () -> ()
    %lt3A = arith.constant 15 : i32
    %lt3A_0 = arith.cmpi slt, %arg1, %lt3A : i32
    %convert_element_type3A = arith.extui %lt3A_0 : i1 to i32
    %cond3A = arith.constant 0 : i32
    %cond3A_1 = arith.cmpi ne, %convert_element_type3A, %cond3A : i32
    scf.if %cond3A_1 {
      %mul3A = arith.constant 640 : i32
      %mul3A_58 = arith.muli %arg1, %mul3A : i32
      %multiple_of3A = tpu.assume_multiple %mul3A_58, 8 : i32
      %mul3A_59 = arith.constant 10000 : i32
      %mul3A_60 = arith.muli %arg0, %mul3A_59 : i32
      %add3A = arith.addi %mul3A_60, %multiple_of3A : i32
      %multiple_of3A_61 = tpu.assume_multiple %add3A, 8 : i32
      %dma_start3A_62 = arith.constant 0 : i32
      %dma_start3A_63 = tpu.memref_slice %arg13[%multiple_of3A, %dma_start3A_62] : memref<10000x128xf32, #tpu.memory_space<vmem_shared>> -> memref<640x128xf32, #tpu.memory_space<vmem_shared>>
      %dma_start3A_64 = arith.constant 0 : i32
      %dma_start3A_65 = tpu.memref_slice %arg2[%multiple_of3A_61, %dma_start3A_64] : memref<20000x128xf32, #tpu.memory_space<hbm>> -> memref<640x128xf32, #tpu.memory_space<hbm>>
      tpu.enqueue_dma source(%dma_start3A_65 : memref<640x128xf32, #tpu.memory_space<hbm>>) target(%dma_start3A_63 : memref<640x128xf32, #tpu.memory_space<vmem_shared>>) target_semaphore(%arg10 : memref<!tpu.dma_semaphore, #tpu.memory_space<semaphore_mem>>)
    } else {
    }
    %eq3A = arith.constant 15 : i32
    %eq3A_2 = arith.cmpi eq, %arg1, %eq3A : i32
    %convert_element_type3A_3 = arith.extui %eq3A_2 : i1 to i32
    %cond3A_4 = arith.constant 0 : i32
    %cond3A_5 = arith.cmpi ne, %convert_element_type3A_3, %cond3A_4 : i32
    scf.if %cond3A_5 {
      %mul3A = arith.constant 10000 : i32
      %mul3A_58 = arith.muli %arg0, %mul3A : i32
      %add3A = arith.constant 9600 : i32
      %add3A_59 = arith.addi %mul3A_58, %add3A : i32
      %dma_start3A_60 = arith.constant 9600 : i32
      %dma_start3A_61 = arith.constant 0 : i32
      %dma_start3A_62 = tpu.memref_slice %arg13[%dma_start3A_60, %dma_start3A_61] : memref<10000x128xf32, #tpu.memory_space<vmem_shared>> -> memref<400x128xf32, #tpu.memory_space<vmem_shared>>
      %dma_start3A_63 = arith.constant 0 : i32
      %dma_start3A_64 = tpu.memref_slice %arg2[%add3A_59, %dma_start3A_63] : memref<20000x128xf32, #tpu.memory_space<hbm>> -> memref<400x128xf32, #tpu.memory_space<hbm>>
      tpu.enqueue_dma source(%dma_start3A_64 : memref<400x128xf32, #tpu.memory_space<hbm>>) target(%dma_start3A_62 : memref<400x128xf32, #tpu.memory_space<vmem_shared>>) target_semaphore(%arg10 : memref<!tpu.dma_semaphore, #tpu.memory_space<semaphore_mem>>)
    } else {
    }
    %dma_start3A = arith.constant 0 : i32
    %dma_start3A_6 = arith.constant 0 : i32
    %dma_start3A_7 = tpu.memref_slice %arg6[%dma_start3A, %dma_start3A_6] : memref<32x128xi32, #tpu.memory_space<vmem>> -> memref<1x128xi32, #tpu.memory_space<vmem>>
    %dma_start3A_8 = tpu.memref_squeeze %dma_start3A_7 : memref<1x128xi32, #tpu.memory_space<vmem>> -> memref<128xi32, #tpu.memory_space<vmem>>
    %dma_start3A_9 = arith.constant 0 : i32
    %dma_start3A_10 = arith.constant 0 : i32
    %dma_start3A_11 = tpu.memref_slice %arg2[%dma_start3A_9, %dma_start3A_10] : memref<20000x128xf32, #tpu.memory_space<hbm>> -> memref<20000x128xf32, #tpu.memory_space<hbm>>
    tpu.enqueue_indirect_dma source(%dma_start3A_11 : memref<20000x128xf32, #tpu.memory_space<hbm>>) target(%arg8 : memref<128x128xf32, #tpu.memory_space<vmem>>) offsets(%dma_start3A_8 : memref<128xi32, #tpu.memory_space<vmem>>) semaphore(%arg11 : memref<!tpu.dma_semaphore, #tpu.memory_space<semaphore_mem>>)
    %dma_start3A_12 = arith.constant 1 : i32
    %dma_start3A_13 = arith.constant 0 : i32
    %dma_start3A_14 = tpu.memref_slice %arg6[%dma_start3A_12, %dma_start3A_13] : memref<32x128xi32, #tpu.memory_space<vmem>> -> memref<1x128xi32, #tpu.memory_space<vmem>>
    %dma_start3A_15 = tpu.memref_squeeze %dma_start3A_14 : memref<1x128xi32, #tpu.memory_space<vmem>> -> memref<128xi32, #tpu.memory_space<vmem>>
    %dma_start3A_16 = arith.constant 0 : i32
    %dma_start3A_17 = arith.constant 0 : i32
    %dma_start3A_18 = tpu.memref_slice %arg2[%dma_start3A_16, %dma_start3A_17] : memref<20000x128xf32, #tpu.memory_space<hbm>> -> memref<20000x128xf32, #tpu.memory_space<hbm>>
    tpu.enqueue_indirect_dma source(%dma_start3A_18 : memref<20000x128xf32, #tpu.memory_space<hbm>>) target(%arg9 : memref<128x128xf32, #tpu.memory_space<vmem>>) offsets(%dma_start3A_15 : memref<128xi32, #tpu.memory_space<vmem>>) semaphore(%arg12 : memref<!tpu.dma_semaphore, #tpu.memory_space<semaphore_mem>>)
    %lt3A_19 = arith.constant 15 : i32
    %lt3A_20 = arith.cmpi slt, %arg1, %lt3A_19 : i32
    %convert_element_type3A_21 = arith.extui %lt3A_20 : i1 to i32
    %cond3A_22 = arith.constant 0 : i32
    %cond3A_23 = arith.cmpi ne, %convert_element_type3A_21, %cond3A_22 : i32
    scf.if %cond3A_23 {
      %mul3A = arith.constant 640 : i32
      %mul3A_58 = arith.muli %arg1, %mul3A : i32
      %multiple_of3A = tpu.assume_multiple %mul3A_58, 8 : i32
      %mul3A_59 = arith.constant 10000 : i32
      %mul3A_60 = arith.muli %arg0, %mul3A_59 : i32
      %add3A = arith.addi %mul3A_60, %multiple_of3A : i32
      %multiple_of3A_61 = tpu.assume_multiple %add3A, 8 : i32
      %dma_wait3A_62 = arith.constant 0 : i32
      %dma_wait3A_63 = tpu.memref_slice %arg13[%multiple_of3A, %dma_wait3A_62] : memref<10000x128xf32, #tpu.memory_space<vmem_shared>> -> memref<640x128xf32, #tpu.memory_space<vmem_shared>>
      %dma_wait3A_64 = arith.constant 0 : i32
      %dma_wait3A_65 = tpu.memref_slice %arg2[%multiple_of3A_61, %dma_wait3A_64] : memref<20000x128xf32, #tpu.memory_space<hbm>> -> memref<640x128xf32, #tpu.memory_space<hbm>>
      tpu.wait_dma2 semaphore(%arg10 : memref<!tpu.dma_semaphore, #tpu.memory_space<semaphore_mem>>) src(%dma_wait3A_65 : memref<640x128xf32, #tpu.memory_space<hbm>>) dst(%dma_wait3A_63 : memref<640x128xf32, #tpu.memory_space<vmem_shared>>)
    } else {
    }
    %eq3A_24 = arith.constant 15 : i32
    %eq3A_25 = arith.cmpi eq, %arg1, %eq3A_24 : i32
    %convert_element_type3A_26 = arith.extui %eq3A_25 : i1 to i32
    %cond3A_27 = arith.constant 0 : i32
    %cond3A_28 = arith.cmpi ne, %convert_element_type3A_26, %cond3A_27 : i32
    scf.if %cond3A_28 {
      %mul3A = arith.constant 10000 : i32
      %mul3A_58 = arith.muli %arg0, %mul3A : i32
      %add3A = arith.constant 9600 : i32
      %add3A_59 = arith.addi %mul3A_58, %add3A : i32
      %dma_wait3A_60 = arith.constant 9600 : i32
      %dma_wait3A_61 = arith.constant 0 : i32
      %dma_wait3A_62 = tpu.memref_slice %arg13[%dma_wait3A_60, %dma_wait3A_61] : memref<10000x128xf32, #tpu.memory_space<vmem_shared>> -> memref<400x128xf32, #tpu.memory_space<vmem_shared>>
      %dma_wait3A_63 = arith.constant 0 : i32
      %dma_wait3A_64 = tpu.memref_slice %arg2[%add3A_59, %dma_wait3A_63] : memref<20000x128xf32, #tpu.memory_space<hbm>> -> memref<400x128xf32, #tpu.memory_space<hbm>>
      tpu.wait_dma2 semaphore(%arg10 : memref<!tpu.dma_semaphore, #tpu.memory_space<semaphore_mem>>) src(%dma_wait3A_64 : memref<400x128xf32, #tpu.memory_space<hbm>>) dst(%dma_wait3A_62 : memref<400x128xf32, #tpu.memory_space<vmem_shared>>)
    } else {
    }
    %barrier3A = arith.constant 0 : index
    tpu.barrier barrier_id(%barrier3A)
    %scan3A = arith.constant 0 : i32
    %scan3A_29 = arith.constant 0 : i32
    %scan3A_30 = arith.constant 16 : i32
    %scan3A_31 = arith.addi %scan3A_29, %scan3A_30 : i32
    %scan3A_32 = arith.constant 1 : i32
    scf.for %scan3A_58 = %scan3A_29 to %scan3A_31 step %scan3A_32  : i32 {
      %mul3A = arith.constant 2 : i32
      %mul3A_59 = arith.muli %mul3A, %scan3A_58 : i32
      %add3A = arith.constant 0 : i32
      %add3A_60 = arith.addi %mul3A_59, %add3A : i32
      %dma_wait3A_61 = arith.constant 0 : i32
      %dma_wait3A_62 = tpu.memref_slice %arg6[%add3A_60, %dma_wait3A_61] : memref<32x128xi32, #tpu.memory_space<vmem>> -> memref<1x128xi32, #tpu.memory_space<vmem>>
      %dma_wait3A_63 = tpu.memref_squeeze %dma_wait3A_62 : memref<1x128xi32, #tpu.memory_space<vmem>> -> memref<128xi32, #tpu.memory_space<vmem>>
      %dma_wait3A_64 = arith.constant 0 : i32
      %dma_wait3A_65 = arith.constant 0 : i32
      %dma_wait3A_66 = tpu.memref_slice %arg2[%dma_wait3A_64, %dma_wait3A_65] : memref<20000x128xf32, #tpu.memory_space<hbm>> -> memref<20000x128xf32, #tpu.memory_space<hbm>>
      tpu.wait_indirect_dma semaphore(%arg11 : memref<!tpu.dma_semaphore, #tpu.memory_space<semaphore_mem>>) src(%dma_wait3A_66 : memref<20000x128xf32, #tpu.memory_space<hbm>>) dst(%arg8 : memref<128x128xf32, #tpu.memory_space<vmem>>)
      "tpu.region"() ({
        %run_scoped3A = tpu.sem_alloc : memref<!tpu.dma_semaphore, #tpu.memory_space<semaphore_mem>>
        %dma_start3A_94 = arith.constant 0 : i32
        %dma_start3A_95 = tpu.memref_slice %arg7[%add3A_60, %dma_start3A_94] : memref<32x128xi32, #tpu.memory_space<vmem>> -> memref<1x128xi32, #tpu.memory_space<vmem>>
        %dma_start3A_96 = tpu.memref_squeeze %dma_start3A_95 : memref<1x128xi32, #tpu.memory_space<vmem>> -> memref<128xi32, #tpu.memory_space<vmem>>
        %dma_start3A_97 = arith.constant 0 : i32
        %dma_start3A_98 = arith.constant 0 : i32
        %dma_start3A_99 = tpu.memref_slice %arg13[%dma_start3A_97, %dma_start3A_98] : memref<10000x128xf32, #tpu.memory_space<vmem_shared>> -> memref<10000x128xf32, #tpu.memory_space<vmem_shared>>
        tpu.enqueue_indirect_dma source(%arg8 : memref<128x128xf32, #tpu.memory_space<vmem>>) target(%dma_start3A_99 : memref<10000x128xf32, #tpu.memory_space<vmem_shared>>) offsets(%dma_start3A_96 : memref<128xi32, #tpu.memory_space<vmem>>) semaphore(%run_scoped3A : memref<!tpu.dma_semaphore, #tpu.memory_space<semaphore_mem>>) {add = true}
        %dma_wait3A_100 = arith.constant 0 : i32
        %dma_wait3A_101 = tpu.memref_slice %arg7[%add3A_60, %dma_wait3A_100] : memref<32x128xi32, #tpu.memory_space<vmem>> -> memref<1x128xi32, #tpu.memory_space<vmem>>
        %dma_wait3A_102 = tpu.memref_squeeze %dma_wait3A_101 : memref<1x128xi32, #tpu.memory_space<vmem>> -> memref<128xi32, #tpu.memory_space<vmem>>
        %dma_wait3A_103 = arith.constant 0 : i32
        %dma_wait3A_104 = arith.constant 0 : i32
        %dma_wait3A_105 = tpu.memref_slice %arg13[%dma_wait3A_103, %dma_wait3A_104] : memref<10000x128xf32, #tpu.memory_space<vmem_shared>> -> memref<10000x128xf32, #tpu.memory_space<vmem_shared>>
        tpu.wait_indirect_dma semaphore(%run_scoped3A : memref<!tpu.dma_semaphore, #tpu.memory_space<semaphore_mem>>) src(%arg8 : memref<128x128xf32, #tpu.memory_space<vmem>>) dst(%dma_wait3A_105 : memref<10000x128xf32, #tpu.memory_space<vmem_shared>>)
        tpu.yield
      }) : () -> ()
      %add3A_67 = arith.constant 2 : i32
      %add3A_68 = arith.addi %add3A_60, %add3A_67 : i32
      %rem3A = arith.constant 32 : i32
      %rem3A_69 = arith.remsi %add3A_68, %rem3A : i32
      %dma_start3A_70 = arith.constant 0 : i32
      %dma_start3A_71 = tpu.memref_slice %arg6[%rem3A_69, %dma_start3A_70] : memref<32x128xi32, #tpu.memory_space<vmem>> -> memref<1x128xi32, #tpu.memory_space<vmem>>
      %dma_start3A_72 = tpu.memref_squeeze %dma_start3A_71 : memref<1x128xi32, #tpu.memory_space<vmem>> -> memref<128xi32, #tpu.memory_space<vmem>>
      %dma_start3A_73 = arith.constant 0 : i32
      %dma_start3A_74 = arith.constant 0 : i32
      %dma_start3A_75 = tpu.memref_slice %arg2[%dma_start3A_73, %dma_start3A_74] : memref<20000x128xf32, #tpu.memory_space<hbm>> -> memref<20000x128xf32, #tpu.memory_space<hbm>>
      tpu.enqueue_indirect_dma source(%dma_start3A_75 : memref<20000x128xf32, #tpu.memory_space<hbm>>) target(%arg8 : memref<128x128xf32, #tpu.memory_space<vmem>>) offsets(%dma_start3A_72 : memref<128xi32, #tpu.memory_space<vmem>>) semaphore(%arg11 : memref<!tpu.dma_semaphore, #tpu.memory_space<semaphore_mem>>)
      %add3A_76 = arith.constant 1 : i32
      %add3A_77 = arith.addi %mul3A_59, %add3A_76 : i32
      %dma_wait3A_78 = arith.constant 0 : i32
      %dma_wait3A_79 = tpu.memref_slice %arg6[%add3A_77, %dma_wait3A_78] : memref<32x128xi32, #tpu.memory_space<vmem>> -> memref<1x128xi32, #tpu.memory_space<vmem>>
      %dma_wait3A_80 = tpu.memref_squeeze %dma_wait3A_79 : memref<1x128xi32, #tpu.memory_space<vmem>> -> memref<128xi32, #tpu.memory_space<vmem>>
      %dma_wait3A_81 = arith.constant 0 : i32
      %dma_wait3A_82 = arith.constant 0 : i32
      %dma_wait3A_83 = tpu.memref_slice %arg2[%dma_wait3A_81, %dma_wait3A_82] : memref<20000x128xf32, #tpu.memory_space<hbm>> -> memref<20000x128xf32, #tpu.memory_space<hbm>>
      tpu.wait_indirect_dma semaphore(%arg12 : memref<!tpu.dma_semaphore, #tpu.memory_space<semaphore_mem>>) src(%dma_wait3A_83 : memref<20000x128xf32, #tpu.memory_space<hbm>>) dst(%arg9 : memref<128x128xf32, #tpu.memory_space<vmem>>)
      "tpu.region"() ({
        %run_scoped3A = tpu.sem_alloc : memref<!tpu.dma_semaphore, #tpu.memory_space<semaphore_mem>>
        %dma_start3A_94 = arith.constant 0 : i32
        %dma_start3A_95 = tpu.memref_slice %arg7[%add3A_77, %dma_start3A_94] : memref<32x128xi32, #tpu.memory_space<vmem>> -> memref<1x128xi32, #tpu.memory_space<vmem>>
        %dma_start3A_96 = tpu.memref_squeeze %dma_start3A_95 : memref<1x128xi32, #tpu.memory_space<vmem>> -> memref<128xi32, #tpu.memory_space<vmem>>
        %dma_start3A_97 = arith.constant 0 : i32
        %dma_start3A_98 = arith.constant 0 : i32
        %dma_start3A_99 = tpu.memref_slice %arg13[%dma_start3A_97, %dma_start3A_98] : memref<10000x128xf32, #tpu.memory_space<vmem_shared>> -> memref<10000x128xf32, #tpu.memory_space<vmem_shared>>
        tpu.enqueue_indirect_dma source(%arg9 : memref<128x128xf32, #tpu.memory_space<vmem>>) target(%dma_start3A_99 : memref<10000x128xf32, #tpu.memory_space<vmem_shared>>) offsets(%dma_start3A_96 : memref<128xi32, #tpu.memory_space<vmem>>) semaphore(%run_scoped3A : memref<!tpu.dma_semaphore, #tpu.memory_space<semaphore_mem>>) {add = true}
        %dma_wait3A_100 = arith.constant 0 : i32
        %dma_wait3A_101 = tpu.memref_slice %arg7[%add3A_77, %dma_wait3A_100] : memref<32x128xi32, #tpu.memory_space<vmem>> -> memref<1x128xi32, #tpu.memory_space<vmem>>
        %dma_wait3A_102 = tpu.memref_squeeze %dma_wait3A_101 : memref<1x128xi32, #tpu.memory_space<vmem>> -> memref<128xi32, #tpu.memory_space<vmem>>
        %dma_wait3A_103 = arith.constant 0 : i32
        %dma_wait3A_104 = arith.constant 0 : i32
        %dma_wait3A_105 = tpu.memref_slice %arg13[%dma_wait3A_103, %dma_wait3A_104] : memref<10000x128xf32, #tpu.memory_space<vmem_shared>> -> memref<10000x128xf32, #tpu.memory_space<vmem_shared>>
        tpu.wait_indirect_dma semaphore(%run_scoped3A : memref<!tpu.dma_semaphore, #tpu.memory_space<semaphore_mem>>) src(%arg9 : memref<128x128xf32, #tpu.memory_space<vmem>>) dst(%dma_wait3A_105 : memref<10000x128xf32, #tpu.memory_space<vmem_shared>>)
        tpu.yield
      }) : () -> ()
      %add3A_84 = arith.constant 2 : i32
      %add3A_85 = arith.addi %add3A_77, %add3A_84 : i32
      %rem3A_86 = arith.constant 32 : i32
      %rem3A_87 = arith.remsi %add3A_85, %rem3A_86 : i32
      %dma_start3A_88 = arith.constant 0 : i32
      %dma_start3A_89 = tpu.memref_slice %arg6[%rem3A_87, %dma_start3A_88] : memref<32x128xi32, #tpu.memory_space<vmem>> -> memref<1x128xi32, #tpu.memory_space<vmem>>
      %dma_start3A_90 = tpu.memref_squeeze %dma_start3A_89 : memref<1x128xi32, #tpu.memory_space<vmem>> -> memref<128xi32, #tpu.memory_space<vmem>>
      %dma_start3A_91 = arith.constant 0 : i32
      %dma_start3A_92 = arith.constant 0 : i32
      %dma_start3A_93 = tpu.memref_slice %arg2[%dma_start3A_91, %dma_start3A_92] : memref<20000x128xf32, #tpu.memory_space<hbm>> -> memref<20000x128xf32, #tpu.memory_space<hbm>>
      tpu.enqueue_indirect_dma source(%dma_start3A_93 : memref<20000x128xf32, #tpu.memory_space<hbm>>) target(%arg9 : memref<128x128xf32, #tpu.memory_space<vmem>>) offsets(%dma_start3A_90 : memref<128xi32, #tpu.memory_space<vmem>>) semaphore(%arg12 : memref<!tpu.dma_semaphore, #tpu.memory_space<semaphore_mem>>)
    }
    %scan3A_33 = arith.constant 16 : i32
    %dma_wait3A = arith.constant 0 : i32
    %dma_wait3A_34 = arith.constant 0 : i32
    %dma_wait3A_35 = tpu.memref_slice %arg6[%dma_wait3A, %dma_wait3A_34] : memref<32x128xi32, #tpu.memory_space<vmem>> -> memref<1x128xi32, #tpu.memory_space<vmem>>
    %dma_wait3A_36 = tpu.memref_squeeze %dma_wait3A_35 : memref<1x128xi32, #tpu.memory_space<vmem>> -> memref<128xi32, #tpu.memory_space<vmem>>
    %dma_wait3A_37 = arith.constant 0 : i32
    %dma_wait3A_38 = arith.constant 0 : i32
    %dma_wait3A_39 = tpu.memref_slice %arg2[%dma_wait3A_37, %dma_wait3A_38] : memref<20000x128xf32, #tpu.memory_space<hbm>> -> memref<20000x128xf32, #tpu.memory_space<hbm>>
    tpu.wait_indirect_dma semaphore(%arg11 : memref<!tpu.dma_semaphore, #tpu.memory_space<semaphore_mem>>) src(%dma_wait3A_39 : memref<20000x128xf32, #tpu.memory_space<hbm>>) dst(%arg8 : memref<128x128xf32, #tpu.memory_space<vmem>>)
    %dma_wait3A_40 = arith.constant 1 : i32
    %dma_wait3A_41 = arith.constant 0 : i32
    %dma_wait3A_42 = tpu.memref_slice %arg6[%dma_wait3A_40, %dma_wait3A_41] : memref<32x128xi32, #tpu.memory_space<vmem>> -> memref<1x128xi32, #tpu.memory_space<vmem>>
    %dma_wait3A_43 = tpu.memref_squeeze %dma_wait3A_42 : memref<1x128xi32, #tpu.memory_space<vmem>> -> memref<128xi32, #tpu.memory_space<vmem>>
    %dma_wait3A_44 = arith.constant 0 : i32
    %dma_wait3A_45 = arith.constant 0 : i32
    %dma_wait3A_46 = tpu.memref_slice %arg2[%dma_wait3A_44, %dma_wait3A_45] : memref<20000x128xf32, #tpu.memory_space<hbm>> -> memref<20000x128xf32, #tpu.memory_space<hbm>>
    tpu.wait_indirect_dma semaphore(%arg12 : memref<!tpu.dma_semaphore, #tpu.memory_space<semaphore_mem>>) src(%dma_wait3A_46 : memref<20000x128xf32, #tpu.memory_space<hbm>>) dst(%arg9 : memref<128x128xf32, #tpu.memory_space<vmem>>)
    %barrier3A_47 = arith.constant 0 : index
    tpu.barrier barrier_id(%barrier3A_47)
    %lt3A_48 = arith.constant 15 : i32
    %lt3A_49 = arith.cmpi slt, %arg1, %lt3A_48 : i32
    %convert_element_type3A_50 = arith.extui %lt3A_49 : i1 to i32
    %cond3A_51 = arith.constant 0 : i32
    %cond3A_52 = arith.cmpi ne, %convert_element_type3A_50, %cond3A_51 : i32
    scf.if %cond3A_52 {
      %mul3A = arith.constant 640 : i32
      %mul3A_58 = arith.muli %arg1, %mul3A : i32
      %multiple_of3A = tpu.assume_multiple %mul3A_58, 8 : i32
      %mul3A_59 = arith.constant 10000 : i32
      %mul3A_60 = arith.muli %arg0, %mul3A_59 : i32
      %add3A = arith.addi %mul3A_60, %multiple_of3A : i32
      %multiple_of3A_61 = tpu.assume_multiple %add3A, 8 : i32
      "tpu.region"() ({
        %run_scoped3A = tpu.sem_alloc : memref<!tpu.dma_semaphore, #tpu.memory_space<semaphore_mem>>
        %dma_start3A_62 = arith.constant 0 : i32
        %dma_start3A_63 = tpu.memref_slice %arg5[%multiple_of3A_61, %dma_start3A_62] : memref<20000x128xf32, #tpu.memory_space<hbm>> -> memref<640x128xf32, #tpu.memory_space<hbm>>
        %dma_start3A_64 = arith.constant 0 : i32
        %dma_start3A_65 = tpu.memref_slice %arg13[%multiple_of3A, %dma_start3A_64] : memref<10000x128xf32, #tpu.memory_space<vmem_shared>> -> memref<640x128xf32, #tpu.memory_space<vmem_shared>>
        tpu.enqueue_dma source(%dma_start3A_65 : memref<640x128xf32, #tpu.memory_space<vmem_shared>>) target(%dma_start3A_63 : memref<640x128xf32, #tpu.memory_space<hbm>>) target_semaphore(%run_scoped3A : memref<!tpu.dma_semaphore, #tpu.memory_space<semaphore_mem>>)
        %dma_wait3A_66 = arith.constant 0 : i32
        %dma_wait3A_67 = tpu.memref_slice %arg5[%multiple_of3A_61, %dma_wait3A_66] : memref<20000x128xf32, #tpu.memory_space<hbm>> -> memref<640x128xf32, #tpu.memory_space<hbm>>
        %dma_wait3A_68 = arith.constant 0 : i32
        %dma_wait3A_69 = tpu.memref_slice %arg13[%multiple_of3A, %dma_wait3A_68] : memref<10000x128xf32, #tpu.memory_space<vmem_shared>> -> memref<640x128xf32, #tpu.memory_space<vmem_shared>>
        tpu.wait_dma2 semaphore(%run_scoped3A : memref<!tpu.dma_semaphore, #tpu.memory_space<semaphore_mem>>) src(%dma_wait3A_69 : memref<640x128xf32, #tpu.memory_space<vmem_shared>>) dst(%dma_wait3A_67 : memref<640x128xf32, #tpu.memory_space<hbm>>)
        tpu.yield
      }) : () -> ()
    } else {
    }
    %eq3A_53 = arith.constant 15 : i32
    %eq3A_54 = arith.cmpi eq, %arg1, %eq3A_53 : i32
    %convert_element_type3A_55 = arith.extui %eq3A_54 : i1 to i32
    %cond3A_56 = arith.constant 0 : i32
    %cond3A_57 = arith.cmpi ne, %convert_element_type3A_55, %cond3A_56 : i32
    scf.if %cond3A_57 {
      %mul3A = arith.constant 10000 : i32
      %mul3A_58 = arith.muli %arg0, %mul3A : i32
      %add3A = arith.constant 9600 : i32
      %add3A_59 = arith.addi %mul3A_58, %add3A : i32
      %multiple_of3A = tpu.assume_multiple %add3A_59, 8 : i32
      "tpu.region"() ({
        %run_scoped3A = tpu.sem_alloc : memref<!tpu.dma_semaphore, #tpu.memory_space<semaphore_mem>>
        %dma_start3A_60 = arith.constant 0 : i32
        %dma_start3A_61 = tpu.memref_slice %arg5[%multiple_of3A, %dma_start3A_60] : memref<20000x128xf32, #tpu.memory_space<hbm>> -> memref<400x128xf32, #tpu.memory_space<hbm>>
        %dma_start3A_62 = arith.constant 9600 : i32
        %dma_start3A_63 = arith.constant 0 : i32
        %dma_start3A_64 = tpu.memref_slice %arg13[%dma_start3A_62, %dma_start3A_63] : memref<10000x128xf32, #tpu.memory_space<vmem_shared>> -> memref<400x128xf32, #tpu.memory_space<vmem_shared>>
        tpu.enqueue_dma source(%dma_start3A_64 : memref<400x128xf32, #tpu.memory_space<vmem_shared>>) target(%dma_start3A_61 : memref<400x128xf32, #tpu.memory_space<hbm>>) target_semaphore(%run_scoped3A : memref<!tpu.dma_semaphore, #tpu.memory_space<semaphore_mem>>)
        %dma_wait3A_65 = arith.constant 0 : i32
        %dma_wait3A_66 = tpu.memref_slice %arg5[%multiple_of3A, %dma_wait3A_65] : memref<20000x128xf32, #tpu.memory_space<hbm>> -> memref<400x128xf32, #tpu.memory_space<hbm>>
        %dma_wait3A_67 = arith.constant 9600 : i32
        %dma_wait3A_68 = arith.constant 0 : i32
        %dma_wait3A_69 = tpu.memref_slice %arg13[%dma_wait3A_67, %dma_wait3A_68] : memref<10000x128xf32, #tpu.memory_space<vmem_shared>> -> memref<400x128xf32, #tpu.memory_space<vmem_shared>>
        tpu.wait_dma2 semaphore(%run_scoped3A : memref<!tpu.dma_semaphore, #tpu.memory_space<semaphore_mem>>) src(%dma_wait3A_69 : memref<400x128xf32, #tpu.memory_space<vmem_shared>>) dst(%dma_wait3A_66 : memref<400x128xf32, #tpu.memory_space<hbm>>)
        tpu.yield
      }) : () -> ()
    } else {
    }
    return
  }
}

#map = affine_map<(d0, d1) -> (0, 0, 0, 0)>
#map1 = affine_map<(d0, d1) -> (0, 0)>
#map2 = affine_map<(d0, d1) -> (0, 0, 0)>
module attributes {stable_mosaic.version = 14 : i64} {
  func.func @_deg_body(%arg0: i32, %arg1: i32, %arg2: memref<2x16x16x128xi32, #tpu.memory_space<hbm>>, %arg3: memref<128x16xf32, #tpu.memory_space<hbm>>, %arg4: memref<640x16xf32, #tpu.memory_space<hbm>>, %arg5: memref<2x10000x16xf32, #tpu.memory_space<hbm>>, %arg6: memref<16x128xi32, #tpu.memory_space<vmem>>, %arg7: memref<128x16xf32, #tpu.memory_space<vmem>>, %arg8: memref<!tpu.dma_semaphore, #tpu.memory_space<semaphore_mem>>, %arg9: memref<10000x16xf32, #tpu.memory_space<vmem_shared>>) attributes {dimension_semantics = [#tpu.dimension_semantics<core_parallel>, #tpu.dimension_semantics<subcore_parallel>], iteration_bounds = array<i64: 2, 16>, scalar_prefetch = 0 : i64, scratch_operands = 4 : i64, tpu.core_type = #tpu.core_type<sc_vector_subcore>, window_params = [{transform_indices = #map}, {transform_indices = #map1}, {transform_indices = #map1}, {transform_indices = #map2}]} {
    %lt3A = arith.constant 15 : i32
    %lt3A_0 = arith.cmpi slt, %arg1, %lt3A : i32
    %convert_element_type3A = arith.extui %lt3A_0 : i1 to i32
    %cond3A = arith.constant 0 : i32
    %cond3A_1 = arith.cmpi ne, %convert_element_type3A, %cond3A : i32
    scf.if %cond3A_1 {
      %mul3A = arith.constant 640 : i32
      %mul3A_22 = arith.muli %arg1, %mul3A : i32
      %multiple_of3A = tpu.assume_multiple %mul3A_22, 8 : i32
      "tpu.region"() ({
        %run_scoped3A = tpu.sem_alloc : memref<!tpu.dma_semaphore, #tpu.memory_space<semaphore_mem>>
        %dma_start3A = arith.constant 0 : i32
        %dma_start3A_23 = tpu.memref_slice %arg9[%multiple_of3A, %dma_start3A] : memref<10000x16xf32, #tpu.memory_space<vmem_shared>> -> memref<640x16xf32, #tpu.memory_space<vmem_shared>>
        %dma_start3A_24 = arith.constant 0 : i32
        %dma_start3A_25 = arith.constant 0 : i32
        %dma_start3A_26 = tpu.memref_slice %arg4[%dma_start3A_24, %dma_start3A_25] : memref<640x16xf32, #tpu.memory_space<hbm>> -> memref<640x16xf32, #tpu.memory_space<hbm>>
        tpu.enqueue_dma source(%dma_start3A_26 : memref<640x16xf32, #tpu.memory_space<hbm>>) target(%dma_start3A_23 : memref<640x16xf32, #tpu.memory_space<vmem_shared>>) target_semaphore(%run_scoped3A : memref<!tpu.dma_semaphore, #tpu.memory_space<semaphore_mem>>)
        %dma_wait3A = arith.constant 0 : i32
        %dma_wait3A_27 = tpu.memref_slice %arg9[%multiple_of3A, %dma_wait3A] : memref<10000x16xf32, #tpu.memory_space<vmem_shared>> -> memref<640x16xf32, #tpu.memory_space<vmem_shared>>
        %dma_wait3A_28 = arith.constant 0 : i32
        %dma_wait3A_29 = arith.constant 0 : i32
        %dma_wait3A_30 = tpu.memref_slice %arg4[%dma_wait3A_28, %dma_wait3A_29] : memref<640x16xf32, #tpu.memory_space<hbm>> -> memref<640x16xf32, #tpu.memory_space<hbm>>
        tpu.wait_dma2 semaphore(%run_scoped3A : memref<!tpu.dma_semaphore, #tpu.memory_space<semaphore_mem>>) src(%dma_wait3A_30 : memref<640x16xf32, #tpu.memory_space<hbm>>) dst(%dma_wait3A_27 : memref<640x16xf32, #tpu.memory_space<vmem_shared>>)
        tpu.yield
      }) : () -> ()
    } else {
    }
    %eq3A = arith.constant 15 : i32
    %eq3A_2 = arith.cmpi eq, %arg1, %eq3A : i32
    %convert_element_type3A_3 = arith.extui %eq3A_2 : i1 to i32
    %cond3A_4 = arith.constant 0 : i32
    %cond3A_5 = arith.cmpi ne, %convert_element_type3A_3, %cond3A_4 : i32
    scf.if %cond3A_5 {
      "tpu.region"() ({
        %run_scoped3A = tpu.sem_alloc : memref<!tpu.dma_semaphore, #tpu.memory_space<semaphore_mem>>
        %dma_start3A = arith.constant 9600 : i32
        %dma_start3A_22 = arith.constant 0 : i32
        %dma_start3A_23 = tpu.memref_slice %arg9[%dma_start3A, %dma_start3A_22] : memref<10000x16xf32, #tpu.memory_space<vmem_shared>> -> memref<400x16xf32, #tpu.memory_space<vmem_shared>>
        %dma_start3A_24 = arith.constant 0 : i32
        %dma_start3A_25 = arith.constant 0 : i32
        %dma_start3A_26 = tpu.memref_slice %arg4[%dma_start3A_24, %dma_start3A_25] : memref<640x16xf32, #tpu.memory_space<hbm>> -> memref<400x16xf32, #tpu.memory_space<hbm>>
        tpu.enqueue_dma source(%dma_start3A_26 : memref<400x16xf32, #tpu.memory_space<hbm>>) target(%dma_start3A_23 : memref<400x16xf32, #tpu.memory_space<vmem_shared>>) target_semaphore(%run_scoped3A : memref<!tpu.dma_semaphore, #tpu.memory_space<semaphore_mem>>)
        %dma_wait3A = arith.constant 9600 : i32
        %dma_wait3A_27 = arith.constant 0 : i32
        %dma_wait3A_28 = tpu.memref_slice %arg9[%dma_wait3A, %dma_wait3A_27] : memref<10000x16xf32, #tpu.memory_space<vmem_shared>> -> memref<400x16xf32, #tpu.memory_space<vmem_shared>>
        %dma_wait3A_29 = arith.constant 0 : i32
        %dma_wait3A_30 = arith.constant 0 : i32
        %dma_wait3A_31 = tpu.memref_slice %arg4[%dma_wait3A_29, %dma_wait3A_30] : memref<640x16xf32, #tpu.memory_space<hbm>> -> memref<400x16xf32, #tpu.memory_space<hbm>>
        tpu.wait_dma2 semaphore(%run_scoped3A : memref<!tpu.dma_semaphore, #tpu.memory_space<semaphore_mem>>) src(%dma_wait3A_31 : memref<400x16xf32, #tpu.memory_space<hbm>>) dst(%dma_wait3A_28 : memref<400x16xf32, #tpu.memory_space<vmem_shared>>)
        tpu.yield
      }) : () -> ()
    } else {
    }
    "tpu.region"() ({
      %run_scoped3A = tpu.sem_alloc : memref<!tpu.dma_semaphore, #tpu.memory_space<semaphore_mem>>
      %dma_start3A = arith.constant 0 : i32
      %dma_start3A_22 = arith.constant 0 : i32
      %dma_start3A_23 = tpu.memref_slice %arg2[%arg0, %arg1, %dma_start3A, %dma_start3A_22] : memref<2x16x16x128xi32, #tpu.memory_space<hbm>> -> memref<1x1x16x128xi32, #tpu.memory_space<hbm>>
      %dma_start3A_24 = tpu.memref_squeeze %dma_start3A_23 : memref<1x1x16x128xi32, #tpu.memory_space<hbm>> -> memref<16x128xi32, #tpu.memory_space<hbm>>
      %dma_start3A_25 = arith.constant 0 : i32
      %dma_start3A_26 = arith.constant 0 : i32
      %dma_start3A_27 = tpu.memref_slice %arg2[%arg0, %arg1, %dma_start3A_25, %dma_start3A_26] : memref<2x16x16x128xi32, #tpu.memory_space<hbm>> -> memref<1x1x16x128xi32, #tpu.memory_space<hbm>>
      %dma_start3A_28 = tpu.memref_squeeze %dma_start3A_27 : memref<1x1x16x128xi32, #tpu.memory_space<hbm>> -> memref<16x128xi32, #tpu.memory_space<hbm>>
      tpu.enqueue_dma source(%dma_start3A_28 : memref<16x128xi32, #tpu.memory_space<hbm>>) target(%arg6 : memref<16x128xi32, #tpu.memory_space<vmem>>) target_semaphore(%run_scoped3A : memref<!tpu.dma_semaphore, #tpu.memory_space<semaphore_mem>>)
      %dma_wait3A = arith.constant 0 : i32
      %dma_wait3A_29 = arith.constant 0 : i32
      %dma_wait3A_30 = tpu.memref_slice %arg2[%arg0, %arg1, %dma_wait3A, %dma_wait3A_29] : memref<2x16x16x128xi32, #tpu.memory_space<hbm>> -> memref<1x1x16x128xi32, #tpu.memory_space<hbm>>
      %dma_wait3A_31 = tpu.memref_squeeze %dma_wait3A_30 : memref<1x1x16x128xi32, #tpu.memory_space<hbm>> -> memref<16x128xi32, #tpu.memory_space<hbm>>
      %dma_wait3A_32 = arith.constant 0 : i32
      %dma_wait3A_33 = arith.constant 0 : i32
      %dma_wait3A_34 = tpu.memref_slice %arg2[%arg0, %arg1, %dma_wait3A_32, %dma_wait3A_33] : memref<2x16x16x128xi32, #tpu.memory_space<hbm>> -> memref<1x1x16x128xi32, #tpu.memory_space<hbm>>
      %dma_wait3A_35 = tpu.memref_squeeze %dma_wait3A_34 : memref<1x1x16x128xi32, #tpu.memory_space<hbm>> -> memref<16x128xi32, #tpu.memory_space<hbm>>
      tpu.wait_dma2 semaphore(%run_scoped3A : memref<!tpu.dma_semaphore, #tpu.memory_space<semaphore_mem>>) src(%dma_wait3A_35 : memref<16x128xi32, #tpu.memory_space<hbm>>) dst(%arg6 : memref<16x128xi32, #tpu.memory_space<vmem>>)
      tpu.yield
    }) : () -> ()
    "tpu.region"() ({
      %run_scoped3A = tpu.sem_alloc : memref<!tpu.dma_semaphore, #tpu.memory_space<semaphore_mem>>
      tpu.enqueue_dma source(%arg3 : memref<128x16xf32, #tpu.memory_space<hbm>>) target(%arg7 : memref<128x16xf32, #tpu.memory_space<vmem>>) target_semaphore(%run_scoped3A : memref<!tpu.dma_semaphore, #tpu.memory_space<semaphore_mem>>)
      tpu.wait_dma2 semaphore(%run_scoped3A : memref<!tpu.dma_semaphore, #tpu.memory_space<semaphore_mem>>) src(%arg3 : memref<128x16xf32, #tpu.memory_space<hbm>>) dst(%arg7 : memref<128x16xf32, #tpu.memory_space<vmem>>)
      tpu.yield
    }) : () -> ()
    %barrier3A = arith.constant 0 : index
    tpu.barrier barrier_id(%barrier3A)
    %scan3A = arith.constant 0 : i32
    %scan3A_6 = arith.constant 0 : i32
    %scan3A_7 = arith.constant 16 : i32
    %scan3A_8 = arith.addi %scan3A_6, %scan3A_7 : i32
    %scan3A_9 = arith.constant 1 : i32
    scf.for %scan3A_22 = %scan3A_6 to %scan3A_8 step %scan3A_9  : i32 {
      "tpu.region"() ({
        %run_scoped3A = tpu.sem_alloc : memref<!tpu.dma_semaphore, #tpu.memory_space<semaphore_mem>>
        %dma_start3A = arith.constant 0 : i32
        %dma_start3A_23 = tpu.memref_slice %arg6[%scan3A_22, %dma_start3A] : memref<16x128xi32, #tpu.memory_space<vmem>> -> memref<1x128xi32, #tpu.memory_space<vmem>>
        %dma_start3A_24 = tpu.memref_squeeze %dma_start3A_23 : memref<1x128xi32, #tpu.memory_space<vmem>> -> memref<128xi32, #tpu.memory_space<vmem>>
        %dma_start3A_25 = arith.constant 0 : i32
        %dma_start3A_26 = arith.constant 0 : i32
        %dma_start3A_27 = tpu.memref_slice %arg9[%dma_start3A_25, %dma_start3A_26] : memref<10000x16xf32, #tpu.memory_space<vmem_shared>> -> memref<10000x16xf32, #tpu.memory_space<vmem_shared>>
        tpu.enqueue_indirect_dma source(%arg7 : memref<128x16xf32, #tpu.memory_space<vmem>>) target(%dma_start3A_27 : memref<10000x16xf32, #tpu.memory_space<vmem_shared>>) offsets(%dma_start3A_24 : memref<128xi32, #tpu.memory_space<vmem>>) semaphore(%run_scoped3A : memref<!tpu.dma_semaphore, #tpu.memory_space<semaphore_mem>>) {add = true}
        %dma_wait3A = arith.constant 0 : i32
        %dma_wait3A_28 = tpu.memref_slice %arg6[%scan3A_22, %dma_wait3A] : memref<16x128xi32, #tpu.memory_space<vmem>> -> memref<1x128xi32, #tpu.memory_space<vmem>>
        %dma_wait3A_29 = tpu.memref_squeeze %dma_wait3A_28 : memref<1x128xi32, #tpu.memory_space<vmem>> -> memref<128xi32, #tpu.memory_space<vmem>>
        %dma_wait3A_30 = arith.constant 0 : i32
        %dma_wait3A_31 = arith.constant 0 : i32
        %dma_wait3A_32 = tpu.memref_slice %arg9[%dma_wait3A_30, %dma_wait3A_31] : memref<10000x16xf32, #tpu.memory_space<vmem_shared>> -> memref<10000x16xf32, #tpu.memory_space<vmem_shared>>
        tpu.wait_indirect_dma semaphore(%run_scoped3A : memref<!tpu.dma_semaphore, #tpu.memory_space<semaphore_mem>>) src(%arg7 : memref<128x16xf32, #tpu.memory_space<vmem>>) dst(%dma_wait3A_32 : memref<10000x16xf32, #tpu.memory_space<vmem_shared>>)
        tpu.yield
      }) : () -> ()
    }
    %scan3A_10 = arith.constant 16 : i32
    %barrier3A_11 = arith.constant 0 : index
    tpu.barrier barrier_id(%barrier3A_11)
    %lt3A_12 = arith.constant 15 : i32
    %lt3A_13 = arith.cmpi slt, %arg1, %lt3A_12 : i32
    %convert_element_type3A_14 = arith.extui %lt3A_13 : i1 to i32
    %cond3A_15 = arith.constant 0 : i32
    %cond3A_16 = arith.cmpi ne, %convert_element_type3A_14, %cond3A_15 : i32
    scf.if %cond3A_16 {
      %mul3A = arith.constant 640 : i32
      %mul3A_22 = arith.muli %arg1, %mul3A : i32
      %multiple_of3A = tpu.assume_multiple %mul3A_22, 8 : i32
      "tpu.region"() ({
        %run_scoped3A = tpu.sem_alloc : memref<!tpu.dma_semaphore, #tpu.memory_space<semaphore_mem>>
        %dma_start3A = arith.constant 0 : i32
        %dma_start3A_23 = tpu.memref_slice %arg5[%arg0, %multiple_of3A, %dma_start3A] : memref<2x10000x16xf32, #tpu.memory_space<hbm>> -> memref<1x640x16xf32, #tpu.memory_space<hbm>>
        %dma_start3A_24 = tpu.memref_squeeze %dma_start3A_23 : memref<1x640x16xf32, #tpu.memory_space<hbm>> -> memref<640x16xf32, #tpu.memory_space<hbm>>
        %dma_start3A_25 = arith.constant 0 : i32
        %dma_start3A_26 = tpu.memref_slice %arg9[%multiple_of3A, %dma_start3A_25] : memref<10000x16xf32, #tpu.memory_space<vmem_shared>> -> memref<640x16xf32, #tpu.memory_space<vmem_shared>>
        tpu.enqueue_dma source(%dma_start3A_26 : memref<640x16xf32, #tpu.memory_space<vmem_shared>>) target(%dma_start3A_24 : memref<640x16xf32, #tpu.memory_space<hbm>>) target_semaphore(%run_scoped3A : memref<!tpu.dma_semaphore, #tpu.memory_space<semaphore_mem>>)
        %dma_wait3A = arith.constant 0 : i32
        %dma_wait3A_27 = tpu.memref_slice %arg5[%arg0, %multiple_of3A, %dma_wait3A] : memref<2x10000x16xf32, #tpu.memory_space<hbm>> -> memref<1x640x16xf32, #tpu.memory_space<hbm>>
        %dma_wait3A_28 = tpu.memref_squeeze %dma_wait3A_27 : memref<1x640x16xf32, #tpu.memory_space<hbm>> -> memref<640x16xf32, #tpu.memory_space<hbm>>
        %dma_wait3A_29 = arith.constant 0 : i32
        %dma_wait3A_30 = tpu.memref_slice %arg9[%multiple_of3A, %dma_wait3A_29] : memref<10000x16xf32, #tpu.memory_space<vmem_shared>> -> memref<640x16xf32, #tpu.memory_space<vmem_shared>>
        tpu.wait_dma2 semaphore(%run_scoped3A : memref<!tpu.dma_semaphore, #tpu.memory_space<semaphore_mem>>) src(%dma_wait3A_30 : memref<640x16xf32, #tpu.memory_space<vmem_shared>>) dst(%dma_wait3A_28 : memref<640x16xf32, #tpu.memory_space<hbm>>)
        tpu.yield
      }) : () -> ()
    } else {
    }
    %eq3A_17 = arith.constant 15 : i32
    %eq3A_18 = arith.cmpi eq, %arg1, %eq3A_17 : i32
    %convert_element_type3A_19 = arith.extui %eq3A_18 : i1 to i32
    %cond3A_20 = arith.constant 0 : i32
    %cond3A_21 = arith.cmpi ne, %convert_element_type3A_19, %cond3A_20 : i32
    scf.if %cond3A_21 {
      "tpu.region"() ({
        %run_scoped3A = tpu.sem_alloc : memref<!tpu.dma_semaphore, #tpu.memory_space<semaphore_mem>>
        %dma_start3A = arith.constant 9600 : i32
        %dma_start3A_22 = arith.constant 0 : i32
        %dma_start3A_23 = tpu.memref_slice %arg5[%arg0, %dma_start3A, %dma_start3A_22] : memref<2x10000x16xf32, #tpu.memory_space<hbm>> -> memref<1x400x16xf32, #tpu.memory_space<hbm>>
        %dma_start3A_24 = tpu.memref_squeeze %dma_start3A_23 : memref<1x400x16xf32, #tpu.memory_space<hbm>> -> memref<400x16xf32, #tpu.memory_space<hbm>>
        %dma_start3A_25 = arith.constant 9600 : i32
        %dma_start3A_26 = arith.constant 0 : i32
        %dma_start3A_27 = tpu.memref_slice %arg9[%dma_start3A_25, %dma_start3A_26] : memref<10000x16xf32, #tpu.memory_space<vmem_shared>> -> memref<400x16xf32, #tpu.memory_space<vmem_shared>>
        tpu.enqueue_dma source(%dma_start3A_27 : memref<400x16xf32, #tpu.memory_space<vmem_shared>>) target(%dma_start3A_24 : memref<400x16xf32, #tpu.memory_space<hbm>>) target_semaphore(%run_scoped3A : memref<!tpu.dma_semaphore, #tpu.memory_space<semaphore_mem>>)
        %dma_wait3A = arith.constant 9600 : i32
        %dma_wait3A_28 = arith.constant 0 : i32
        %dma_wait3A_29 = tpu.memref_slice %arg5[%arg0, %dma_wait3A, %dma_wait3A_28] : memref<2x10000x16xf32, #tpu.memory_space<hbm>> -> memref<1x400x16xf32, #tpu.memory_space<hbm>>
        %dma_wait3A_30 = tpu.memref_squeeze %dma_wait3A_29 : memref<1x400x16xf32, #tpu.memory_space<hbm>> -> memref<400x16xf32, #tpu.memory_space<hbm>>
        %dma_wait3A_31 = arith.constant 9600 : i32
        %dma_wait3A_32 = arith.constant 0 : i32
        %dma_wait3A_33 = tpu.memref_slice %arg9[%dma_wait3A_31, %dma_wait3A_32] : memref<10000x16xf32, #tpu.memory_space<vmem_shared>> -> memref<400x16xf32, #tpu.memory_space<vmem_shared>>
        tpu.wait_dma2 semaphore(%run_scoped3A : memref<!tpu.dma_semaphore, #tpu.memory_space<semaphore_mem>>) src(%dma_wait3A_33 : memref<400x16xf32, #tpu.memory_space<vmem_shared>>) dst(%dma_wait3A_30 : memref<400x16xf32, #tpu.memory_space<hbm>>)
        tpu.yield
      }) : () -> ()
    } else {
    }
    return
  }
}

#map = affine_map<(d0, d1) -> (0, 0)>
#map1 = affine_map<(d0, d1) -> (0, 0, 0, 0)>
#map2 = affine_map<(d0, d1) -> (0, 0, 0)>
module attributes {stable_mosaic.version = 14 : i64} {
  func.func @_agg_body(%arg0: i32, %arg1: i32, %arg2: memref<20000x128xf32, #tpu.memory_space<hbm>>, %arg3: memref<2x16x32x128xi32, #tpu.memory_space<hbm>>, %arg4: memref<16x32x128xi32, #tpu.memory_space<hbm>>, %arg5: memref<20000x128xf32, #tpu.memory_space<hbm>>, %arg6: memref<32x128xi32, #tpu.memory_space<vmem>>, %arg7: memref<32x128xi32, #tpu.memory_space<vmem>>, %arg8: memref<128x128xf32, #tpu.memory_space<vmem>>, %arg9: memref<128x128xf32, #tpu.memory_space<vmem>>, %arg10: memref<!tpu.dma_semaphore, #tpu.memory_space<semaphore_mem>>, %arg11: memref<!tpu.dma_semaphore, #tpu.memory_space<semaphore_mem>>, %arg12: memref<!tpu.dma_semaphore, #tpu.memory_space<semaphore_mem>>, %arg13: memref<10000x128xf32, #tpu.memory_space<vmem_shared>>) attributes {dimension_semantics = [#tpu.dimension_semantics<core_parallel>, #tpu.dimension_semantics<subcore_parallel>], iteration_bounds = array<i64: 2, 16>, scalar_prefetch = 0 : i64, scratch_operands = 8 : i64, tpu.core_type = #tpu.core_type<sc_vector_subcore>, window_params = [{transform_indices = #map}, {transform_indices = #map1}, {transform_indices = #map2}, {transform_indices = #map}]} {
    "tpu.region"() ({
      %run_scoped3A = tpu.sem_alloc : memref<!tpu.dma_semaphore, #tpu.memory_space<semaphore_mem>>
      %dma_start3A_58 = arith.constant 0 : i32
      %dma_start3A_59 = arith.constant 0 : i32
      %dma_start3A_60 = tpu.memref_slice %arg3[%arg0, %arg1, %dma_start3A_58, %dma_start3A_59] : memref<2x16x32x128xi32, #tpu.memory_space<hbm>> -> memref<1x1x32x128xi32, #tpu.memory_space<hbm>>
      %dma_start3A_61 = tpu.memref_squeeze %dma_start3A_60 : memref<1x1x32x128xi32, #tpu.memory_space<hbm>> -> memref<32x128xi32, #tpu.memory_space<hbm>>
      %dma_start3A_62 = arith.constant 0 : i32
      %dma_start3A_63 = arith.constant 0 : i32
      %dma_start3A_64 = tpu.memref_slice %arg3[%arg0, %arg1, %dma_start3A_62, %dma_start3A_63] : memref<2x16x32x128xi32, #tpu.memory_space<hbm>> -> memref<1x1x32x128xi32, #tpu.memory_space<hbm>>
      %dma_start3A_65 = tpu.memref_squeeze %dma_start3A_64 : memref<1x1x32x128xi32, #tpu.memory_space<hbm>> -> memref<32x128xi32, #tpu.memory_space<hbm>>
      tpu.enqueue_dma source(%dma_start3A_65 : memref<32x128xi32, #tpu.memory_space<hbm>>) target(%arg6 : memref<32x128xi32, #tpu.memory_space<vmem>>) target_semaphore(%run_scoped3A : memref<!tpu.dma_semaphore, #tpu.memory_space<semaphore_mem>>)
      %dma_wait3A_66 = arith.constant 0 : i32
      %dma_wait3A_67 = arith.constant 0 : i32
      %dma_wait3A_68 = tpu.memref_slice %arg3[%arg0, %arg1, %dma_wait3A_66, %dma_wait3A_67] : memref<2x16x32x128xi32, #tpu.memory_space<hbm>> -> memref<1x1x32x128xi32, #tpu.memory_space<hbm>>
      %dma_wait3A_69 = tpu.memref_squeeze %dma_wait3A_68 : memref<1x1x32x128xi32, #tpu.memory_space<hbm>> -> memref<32x128xi32, #tpu.memory_space<hbm>>
      %dma_wait3A_70 = arith.constant 0 : i32
      %dma_wait3A_71 = arith.constant 0 : i32
      %dma_wait3A_72 = tpu.memref_slice %arg3[%arg0, %arg1, %dma_wait3A_70, %dma_wait3A_71] : memref<2x16x32x128xi32, #tpu.memory_space<hbm>> -> memref<1x1x32x128xi32, #tpu.memory_space<hbm>>
      %dma_wait3A_73 = tpu.memref_squeeze %dma_wait3A_72 : memref<1x1x32x128xi32, #tpu.memory_space<hbm>> -> memref<32x128xi32, #tpu.memory_space<hbm>>
      tpu.wait_dma2 semaphore(%run_scoped3A : memref<!tpu.dma_semaphore, #tpu.memory_space<semaphore_mem>>) src(%dma_wait3A_73 : memref<32x128xi32, #tpu.memory_space<hbm>>) dst(%arg6 : memref<32x128xi32, #tpu.memory_space<vmem>>)
      tpu.yield
    }) : () -> ()
    "tpu.region"() ({
      %run_scoped3A = tpu.sem_alloc : memref<!tpu.dma_semaphore, #tpu.memory_space<semaphore_mem>>
      %dma_start3A_58 = arith.constant 0 : i32
      %dma_start3A_59 = arith.constant 0 : i32
      %dma_start3A_60 = tpu.memref_slice %arg4[%arg1, %dma_start3A_58, %dma_start3A_59] : memref<16x32x128xi32, #tpu.memory_space<hbm>> -> memref<1x32x128xi32, #tpu.memory_space<hbm>>
      %dma_start3A_61 = tpu.memref_squeeze %dma_start3A_60 : memref<1x32x128xi32, #tpu.memory_space<hbm>> -> memref<32x128xi32, #tpu.memory_space<hbm>>
      %dma_start3A_62 = arith.constant 0 : i32
      %dma_start3A_63 = arith.constant 0 : i32
      %dma_start3A_64 = tpu.memref_slice %arg4[%arg1, %dma_start3A_62, %dma_start3A_63] : memref<16x32x128xi32, #tpu.memory_space<hbm>> -> memref<1x32x128xi32, #tpu.memory_space<hbm>>
      %dma_start3A_65 = tpu.memref_squeeze %dma_start3A_64 : memref<1x32x128xi32, #tpu.memory_space<hbm>> -> memref<32x128xi32, #tpu.memory_space<hbm>>
      tpu.enqueue_dma source(%dma_start3A_65 : memref<32x128xi32, #tpu.memory_space<hbm>>) target(%arg7 : memref<32x128xi32, #tpu.memory_space<vmem>>) target_semaphore(%run_scoped3A : memref<!tpu.dma_semaphore, #tpu.memory_space<semaphore_mem>>)
      %dma_wait3A_66 = arith.constant 0 : i32
      %dma_wait3A_67 = arith.constant 0 : i32
      %dma_wait3A_68 = tpu.memref_slice %arg4[%arg1, %dma_wait3A_66, %dma_wait3A_67] : memref<16x32x128xi32, #tpu.memory_space<hbm>> -> memref<1x32x128xi32, #tpu.memory_space<hbm>>
      %dma_wait3A_69 = tpu.memref_squeeze %dma_wait3A_68 : memref<1x32x128xi32, #tpu.memory_space<hbm>> -> memref<32x128xi32, #tpu.memory_space<hbm>>
      %dma_wait3A_70 = arith.constant 0 : i32
      %dma_wait3A_71 = arith.constant 0 : i32
      %dma_wait3A_72 = tpu.memref_slice %arg4[%arg1, %dma_wait3A_70, %dma_wait3A_71] : memref<16x32x128xi32, #tpu.memory_space<hbm>> -> memref<1x32x128xi32, #tpu.memory_space<hbm>>
      %dma_wait3A_73 = tpu.memref_squeeze %dma_wait3A_72 : memref<1x32x128xi32, #tpu.memory_space<hbm>> -> memref<32x128xi32, #tpu.memory_space<hbm>>
      tpu.wait_dma2 semaphore(%run_scoped3A : memref<!tpu.dma_semaphore, #tpu.memory_space<semaphore_mem>>) src(%dma_wait3A_73 : memref<32x128xi32, #tpu.memory_space<hbm>>) dst(%arg7 : memref<32x128xi32, #tpu.memory_space<vmem>>)
      tpu.yield
    }) : () -> ()
    %lt3A = arith.constant 15 : i32
    %lt3A_0 = arith.cmpi slt, %arg1, %lt3A : i32
    %convert_element_type3A = arith.extui %lt3A_0 : i1 to i32
    %cond3A = arith.constant 0 : i32
    %cond3A_1 = arith.cmpi ne, %convert_element_type3A, %cond3A : i32
    scf.if %cond3A_1 {
      %mul3A = arith.constant 640 : i32
      %mul3A_58 = arith.muli %arg1, %mul3A : i32
      %multiple_of3A = tpu.assume_multiple %mul3A_58, 8 : i32
      %mul3A_59 = arith.constant 10000 : i32
      %mul3A_60 = arith.muli %arg0, %mul3A_59 : i32
      %add3A = arith.addi %mul3A_60, %multiple_of3A : i32
      %multiple_of3A_61 = tpu.assume_multiple %add3A, 8 : i32
      %dma_start3A_62 = arith.constant 0 : i32
      %dma_start3A_63 = tpu.memref_slice %arg13[%multiple_of3A, %dma_start3A_62] : memref<10000x128xf32, #tpu.memory_space<vmem_shared>> -> memref<640x128xf32, #tpu.memory_space<vmem_shared>>
      %dma_start3A_64 = arith.constant 0 : i32
      %dma_start3A_65 = tpu.memref_slice %arg2[%multiple_of3A_61, %dma_start3A_64] : memref<20000x128xf32, #tpu.memory_space<hbm>> -> memref<640x128xf32, #tpu.memory_space<hbm>>
      tpu.enqueue_dma source(%dma_start3A_65 : memref<640x128xf32, #tpu.memory_space<hbm>>) target(%dma_start3A_63 : memref<640x128xf32, #tpu.memory_space<vmem_shared>>) target_semaphore(%arg10 : memref<!tpu.dma_semaphore, #tpu.memory_space<semaphore_mem>>)
    } else {
    }
    %eq3A = arith.constant 15 : i32
    %eq3A_2 = arith.cmpi eq, %arg1, %eq3A : i32
    %convert_element_type3A_3 = arith.extui %eq3A_2 : i1 to i32
    %cond3A_4 = arith.constant 0 : i32
    %cond3A_5 = arith.cmpi ne, %convert_element_type3A_3, %cond3A_4 : i32
    scf.if %cond3A_5 {
      %mul3A = arith.constant 10000 : i32
      %mul3A_58 = arith.muli %arg0, %mul3A : i32
      %add3A = arith.constant 9600 : i32
      %add3A_59 = arith.addi %mul3A_58, %add3A : i32
      %dma_start3A_60 = arith.constant 9600 : i32
      %dma_start3A_61 = arith.constant 0 : i32
      %dma_start3A_62 = tpu.memref_slice %arg13[%dma_start3A_60, %dma_start3A_61] : memref<10000x128xf32, #tpu.memory_space<vmem_shared>> -> memref<400x128xf32, #tpu.memory_space<vmem_shared>>
      %dma_start3A_63 = arith.constant 0 : i32
      %dma_start3A_64 = tpu.memref_slice %arg2[%add3A_59, %dma_start3A_63] : memref<20000x128xf32, #tpu.memory_space<hbm>> -> memref<400x128xf32, #tpu.memory_space<hbm>>
      tpu.enqueue_dma source(%dma_start3A_64 : memref<400x128xf32, #tpu.memory_space<hbm>>) target(%dma_start3A_62 : memref<400x128xf32, #tpu.memory_space<vmem_shared>>) target_semaphore(%arg10 : memref<!tpu.dma_semaphore, #tpu.memory_space<semaphore_mem>>)
    } else {
    }
    %dma_start3A = arith.constant 0 : i32
    %dma_start3A_6 = arith.constant 0 : i32
    %dma_start3A_7 = tpu.memref_slice %arg6[%dma_start3A, %dma_start3A_6] : memref<32x128xi32, #tpu.memory_space<vmem>> -> memref<1x128xi32, #tpu.memory_space<vmem>>
    %dma_start3A_8 = tpu.memref_squeeze %dma_start3A_7 : memref<1x128xi32, #tpu.memory_space<vmem>> -> memref<128xi32, #tpu.memory_space<vmem>>
    %dma_start3A_9 = arith.constant 0 : i32
    %dma_start3A_10 = arith.constant 0 : i32
    %dma_start3A_11 = tpu.memref_slice %arg2[%dma_start3A_9, %dma_start3A_10] : memref<20000x128xf32, #tpu.memory_space<hbm>> -> memref<20000x128xf32, #tpu.memory_space<hbm>>
    tpu.enqueue_indirect_dma source(%dma_start3A_11 : memref<20000x128xf32, #tpu.memory_space<hbm>>) target(%arg8 : memref<128x128xf32, #tpu.memory_space<vmem>>) offsets(%dma_start3A_8 : memref<128xi32, #tpu.memory_space<vmem>>) semaphore(%arg11 : memref<!tpu.dma_semaphore, #tpu.memory_space<semaphore_mem>>)
    %dma_start3A_12 = arith.constant 1 : i32
    %dma_start3A_13 = arith.constant 0 : i32
    %dma_start3A_14 = tpu.memref_slice %arg6[%dma_start3A_12, %dma_start3A_13] : memref<32x128xi32, #tpu.memory_space<vmem>> -> memref<1x128xi32, #tpu.memory_space<vmem>>
    %dma_start3A_15 = tpu.memref_squeeze %dma_start3A_14 : memref<1x128xi32, #tpu.memory_space<vmem>> -> memref<128xi32, #tpu.memory_space<vmem>>
    %dma_start3A_16 = arith.constant 0 : i32
    %dma_start3A_17 = arith.constant 0 : i32
    %dma_start3A_18 = tpu.memref_slice %arg2[%dma_start3A_16, %dma_start3A_17] : memref<20000x128xf32, #tpu.memory_space<hbm>> -> memref<20000x128xf32, #tpu.memory_space<hbm>>
    tpu.enqueue_indirect_dma source(%dma_start3A_18 : memref<20000x128xf32, #tpu.memory_space<hbm>>) target(%arg9 : memref<128x128xf32, #tpu.memory_space<vmem>>) offsets(%dma_start3A_15 : memref<128xi32, #tpu.memory_space<vmem>>) semaphore(%arg12 : memref<!tpu.dma_semaphore, #tpu.memory_space<semaphore_mem>>)
    %lt3A_19 = arith.constant 15 : i32
    %lt3A_20 = arith.cmpi slt, %arg1, %lt3A_19 : i32
    %convert_element_type3A_21 = arith.extui %lt3A_20 : i1 to i32
    %cond3A_22 = arith.constant 0 : i32
    %cond3A_23 = arith.cmpi ne, %convert_element_type3A_21, %cond3A_22 : i32
    scf.if %cond3A_23 {
      %mul3A = arith.constant 640 : i32
      %mul3A_58 = arith.muli %arg1, %mul3A : i32
      %multiple_of3A = tpu.assume_multiple %mul3A_58, 8 : i32
      %mul3A_59 = arith.constant 10000 : i32
      %mul3A_60 = arith.muli %arg0, %mul3A_59 : i32
      %add3A = arith.addi %mul3A_60, %multiple_of3A : i32
      %multiple_of3A_61 = tpu.assume_multiple %add3A, 8 : i32
      %dma_wait3A_62 = arith.constant 0 : i32
      %dma_wait3A_63 = tpu.memref_slice %arg13[%multiple_of3A, %dma_wait3A_62] : memref<10000x128xf32, #tpu.memory_space<vmem_shared>> -> memref<640x128xf32, #tpu.memory_space<vmem_shared>>
      %dma_wait3A_64 = arith.constant 0 : i32
      %dma_wait3A_65 = tpu.memref_slice %arg2[%multiple_of3A_61, %dma_wait3A_64] : memref<20000x128xf32, #tpu.memory_space<hbm>> -> memref<640x128xf32, #tpu.memory_space<hbm>>
      tpu.wait_dma2 semaphore(%arg10 : memref<!tpu.dma_semaphore, #tpu.memory_space<semaphore_mem>>) src(%dma_wait3A_65 : memref<640x128xf32, #tpu.memory_space<hbm>>) dst(%dma_wait3A_63 : memref<640x128xf32, #tpu.memory_space<vmem_shared>>)
    } else {
    }
    %eq3A_24 = arith.constant 15 : i32
    %eq3A_25 = arith.cmpi eq, %arg1, %eq3A_24 : i32
    %convert_element_type3A_26 = arith.extui %eq3A_25 : i1 to i32
    %cond3A_27 = arith.constant 0 : i32
    %cond3A_28 = arith.cmpi ne, %convert_element_type3A_26, %cond3A_27 : i32
    scf.if %cond3A_28 {
      %mul3A = arith.constant 10000 : i32
      %mul3A_58 = arith.muli %arg0, %mul3A : i32
      %add3A = arith.constant 9600 : i32
      %add3A_59 = arith.addi %mul3A_58, %add3A : i32
      %dma_wait3A_60 = arith.constant 9600 : i32
      %dma_wait3A_61 = arith.constant 0 : i32
      %dma_wait3A_62 = tpu.memref_slice %arg13[%dma_wait3A_60, %dma_wait3A_61] : memref<10000x128xf32, #tpu.memory_space<vmem_shared>> -> memref<400x128xf32, #tpu.memory_space<vmem_shared>>
      %dma_wait3A_63 = arith.constant 0 : i32
      %dma_wait3A_64 = tpu.memref_slice %arg2[%add3A_59, %dma_wait3A_63] : memref<20000x128xf32, #tpu.memory_space<hbm>> -> memref<400x128xf32, #tpu.memory_space<hbm>>
      tpu.wait_dma2 semaphore(%arg10 : memref<!tpu.dma_semaphore, #tpu.memory_space<semaphore_mem>>) src(%dma_wait3A_64 : memref<400x128xf32, #tpu.memory_space<hbm>>) dst(%dma_wait3A_62 : memref<400x128xf32, #tpu.memory_space<vmem_shared>>)
    } else {
    }
    %barrier3A = arith.constant 0 : index
    tpu.barrier barrier_id(%barrier3A)
    %scan3A = arith.constant 0 : i32
    %scan3A_29 = arith.constant 0 : i32
    %scan3A_30 = arith.constant 16 : i32
    %scan3A_31 = arith.addi %scan3A_29, %scan3A_30 : i32
    %scan3A_32 = arith.constant 1 : i32
    scf.for %scan3A_58 = %scan3A_29 to %scan3A_31 step %scan3A_32  : i32 {
      %mul3A = arith.constant 2 : i32
      %mul3A_59 = arith.muli %mul3A, %scan3A_58 : i32
      %add3A = arith.constant 0 : i32
      %add3A_60 = arith.addi %mul3A_59, %add3A : i32
      %dma_wait3A_61 = arith.constant 0 : i32
      %dma_wait3A_62 = tpu.memref_slice %arg6[%add3A_60, %dma_wait3A_61] : memref<32x128xi32, #tpu.memory_space<vmem>> -> memref<1x128xi32, #tpu.memory_space<vmem>>
      %dma_wait3A_63 = tpu.memref_squeeze %dma_wait3A_62 : memref<1x128xi32, #tpu.memory_space<vmem>> -> memref<128xi32, #tpu.memory_space<vmem>>
      %dma_wait3A_64 = arith.constant 0 : i32
      %dma_wait3A_65 = arith.constant 0 : i32
      %dma_wait3A_66 = tpu.memref_slice %arg2[%dma_wait3A_64, %dma_wait3A_65] : memref<20000x128xf32, #tpu.memory_space<hbm>> -> memref<20000x128xf32, #tpu.memory_space<hbm>>
      tpu.wait_indirect_dma semaphore(%arg11 : memref<!tpu.dma_semaphore, #tpu.memory_space<semaphore_mem>>) src(%dma_wait3A_66 : memref<20000x128xf32, #tpu.memory_space<hbm>>) dst(%arg8 : memref<128x128xf32, #tpu.memory_space<vmem>>)
      "tpu.region"() ({
        %run_scoped3A = tpu.sem_alloc : memref<!tpu.dma_semaphore, #tpu.memory_space<semaphore_mem>>
        %dma_start3A_94 = arith.constant 0 : i32
        %dma_start3A_95 = tpu.memref_slice %arg7[%add3A_60, %dma_start3A_94] : memref<32x128xi32, #tpu.memory_space<vmem>> -> memref<1x128xi32, #tpu.memory_space<vmem>>
        %dma_start3A_96 = tpu.memref_squeeze %dma_start3A_95 : memref<1x128xi32, #tpu.memory_space<vmem>> -> memref<128xi32, #tpu.memory_space<vmem>>
        %dma_start3A_97 = arith.constant 0 : i32
        %dma_start3A_98 = arith.constant 0 : i32
        %dma_start3A_99 = tpu.memref_slice %arg13[%dma_start3A_97, %dma_start3A_98] : memref<10000x128xf32, #tpu.memory_space<vmem_shared>> -> memref<10000x128xf32, #tpu.memory_space<vmem_shared>>
        tpu.enqueue_indirect_dma source(%arg8 : memref<128x128xf32, #tpu.memory_space<vmem>>) target(%dma_start3A_99 : memref<10000x128xf32, #tpu.memory_space<vmem_shared>>) offsets(%dma_start3A_96 : memref<128xi32, #tpu.memory_space<vmem>>) semaphore(%run_scoped3A : memref<!tpu.dma_semaphore, #tpu.memory_space<semaphore_mem>>) {add = true}
        %dma_wait3A_100 = arith.constant 0 : i32
        %dma_wait3A_101 = tpu.memref_slice %arg7[%add3A_60, %dma_wait3A_100] : memref<32x128xi32, #tpu.memory_space<vmem>> -> memref<1x128xi32, #tpu.memory_space<vmem>>
        %dma_wait3A_102 = tpu.memref_squeeze %dma_wait3A_101 : memref<1x128xi32, #tpu.memory_space<vmem>> -> memref<128xi32, #tpu.memory_space<vmem>>
        %dma_wait3A_103 = arith.constant 0 : i32
        %dma_wait3A_104 = arith.constant 0 : i32
        %dma_wait3A_105 = tpu.memref_slice %arg13[%dma_wait3A_103, %dma_wait3A_104] : memref<10000x128xf32, #tpu.memory_space<vmem_shared>> -> memref<10000x128xf32, #tpu.memory_space<vmem_shared>>
        tpu.wait_indirect_dma semaphore(%run_scoped3A : memref<!tpu.dma_semaphore, #tpu.memory_space<semaphore_mem>>) src(%arg8 : memref<128x128xf32, #tpu.memory_space<vmem>>) dst(%dma_wait3A_105 : memref<10000x128xf32, #tpu.memory_space<vmem_shared>>)
        tpu.yield
      }) : () -> ()
      %add3A_67 = arith.constant 2 : i32
      %add3A_68 = arith.addi %add3A_60, %add3A_67 : i32
      %rem3A = arith.constant 32 : i32
      %rem3A_69 = arith.remsi %add3A_68, %rem3A : i32
      %dma_start3A_70 = arith.constant 0 : i32
      %dma_start3A_71 = tpu.memref_slice %arg6[%rem3A_69, %dma_start3A_70] : memref<32x128xi32, #tpu.memory_space<vmem>> -> memref<1x128xi32, #tpu.memory_space<vmem>>
      %dma_start3A_72 = tpu.memref_squeeze %dma_start3A_71 : memref<1x128xi32, #tpu.memory_space<vmem>> -> memref<128xi32, #tpu.memory_space<vmem>>
      %dma_start3A_73 = arith.constant 0 : i32
      %dma_start3A_74 = arith.constant 0 : i32
      %dma_start3A_75 = tpu.memref_slice %arg2[%dma_start3A_73, %dma_start3A_74] : memref<20000x128xf32, #tpu.memory_space<hbm>> -> memref<20000x128xf32, #tpu.memory_space<hbm>>
      tpu.enqueue_indirect_dma source(%dma_start3A_75 : memref<20000x128xf32, #tpu.memory_space<hbm>>) target(%arg8 : memref<128x128xf32, #tpu.memory_space<vmem>>) offsets(%dma_start3A_72 : memref<128xi32, #tpu.memory_space<vmem>>) semaphore(%arg11 : memref<!tpu.dma_semaphore, #tpu.memory_space<semaphore_mem>>)
      %add3A_76 = arith.constant 1 : i32
      %add3A_77 = arith.addi %mul3A_59, %add3A_76 : i32
      %dma_wait3A_78 = arith.constant 0 : i32
      %dma_wait3A_79 = tpu.memref_slice %arg6[%add3A_77, %dma_wait3A_78] : memref<32x128xi32, #tpu.memory_space<vmem>> -> memref<1x128xi32, #tpu.memory_space<vmem>>
      %dma_wait3A_80 = tpu.memref_squeeze %dma_wait3A_79 : memref<1x128xi32, #tpu.memory_space<vmem>> -> memref<128xi32, #tpu.memory_space<vmem>>
      %dma_wait3A_81 = arith.constant 0 : i32
      %dma_wait3A_82 = arith.constant 0 : i32
      %dma_wait3A_83 = tpu.memref_slice %arg2[%dma_wait3A_81, %dma_wait3A_82] : memref<20000x128xf32, #tpu.memory_space<hbm>> -> memref<20000x128xf32, #tpu.memory_space<hbm>>
      tpu.wait_indirect_dma semaphore(%arg12 : memref<!tpu.dma_semaphore, #tpu.memory_space<semaphore_mem>>) src(%dma_wait3A_83 : memref<20000x128xf32, #tpu.memory_space<hbm>>) dst(%arg9 : memref<128x128xf32, #tpu.memory_space<vmem>>)
      "tpu.region"() ({
        %run_scoped3A = tpu.sem_alloc : memref<!tpu.dma_semaphore, #tpu.memory_space<semaphore_mem>>
        %dma_start3A_94 = arith.constant 0 : i32
        %dma_start3A_95 = tpu.memref_slice %arg7[%add3A_77, %dma_start3A_94] : memref<32x128xi32, #tpu.memory_space<vmem>> -> memref<1x128xi32, #tpu.memory_space<vmem>>
        %dma_start3A_96 = tpu.memref_squeeze %dma_start3A_95 : memref<1x128xi32, #tpu.memory_space<vmem>> -> memref<128xi32, #tpu.memory_space<vmem>>
        %dma_start3A_97 = arith.constant 0 : i32
        %dma_start3A_98 = arith.constant 0 : i32
        %dma_start3A_99 = tpu.memref_slice %arg13[%dma_start3A_97, %dma_start3A_98] : memref<10000x128xf32, #tpu.memory_space<vmem_shared>> -> memref<10000x128xf32, #tpu.memory_space<vmem_shared>>
        tpu.enqueue_indirect_dma source(%arg9 : memref<128x128xf32, #tpu.memory_space<vmem>>) target(%dma_start3A_99 : memref<10000x128xf32, #tpu.memory_space<vmem_shared>>) offsets(%dma_start3A_96 : memref<128xi32, #tpu.memory_space<vmem>>) semaphore(%run_scoped3A : memref<!tpu.dma_semaphore, #tpu.memory_space<semaphore_mem>>) {add = true}
        %dma_wait3A_100 = arith.constant 0 : i32
        %dma_wait3A_101 = tpu.memref_slice %arg7[%add3A_77, %dma_wait3A_100] : memref<32x128xi32, #tpu.memory_space<vmem>> -> memref<1x128xi32, #tpu.memory_space<vmem>>
        %dma_wait3A_102 = tpu.memref_squeeze %dma_wait3A_101 : memref<1x128xi32, #tpu.memory_space<vmem>> -> memref<128xi32, #tpu.memory_space<vmem>>
        %dma_wait3A_103 = arith.constant 0 : i32
        %dma_wait3A_104 = arith.constant 0 : i32
        %dma_wait3A_105 = tpu.memref_slice %arg13[%dma_wait3A_103, %dma_wait3A_104] : memref<10000x128xf32, #tpu.memory_space<vmem_shared>> -> memref<10000x128xf32, #tpu.memory_space<vmem_shared>>
        tpu.wait_indirect_dma semaphore(%run_scoped3A : memref<!tpu.dma_semaphore, #tpu.memory_space<semaphore_mem>>) src(%arg9 : memref<128x128xf32, #tpu.memory_space<vmem>>) dst(%dma_wait3A_105 : memref<10000x128xf32, #tpu.memory_space<vmem_shared>>)
        tpu.yield
      }) : () -> ()
      %add3A_84 = arith.constant 2 : i32
      %add3A_85 = arith.addi %add3A_77, %add3A_84 : i32
      %rem3A_86 = arith.constant 32 : i32
      %rem3A_87 = arith.remsi %add3A_85, %rem3A_86 : i32
      %dma_start3A_88 = arith.constant 0 : i32
      %dma_start3A_89 = tpu.memref_slice %arg6[%rem3A_87, %dma_start3A_88] : memref<32x128xi32, #tpu.memory_space<vmem>> -> memref<1x128xi32, #tpu.memory_space<vmem>>
      %dma_start3A_90 = tpu.memref_squeeze %dma_start3A_89 : memref<1x128xi32, #tpu.memory_space<vmem>> -> memref<128xi32, #tpu.memory_space<vmem>>
      %dma_start3A_91 = arith.constant 0 : i32
      %dma_start3A_92 = arith.constant 0 : i32
      %dma_start3A_93 = tpu.memref_slice %arg2[%dma_start3A_91, %dma_start3A_92] : memref<20000x128xf32, #tpu.memory_space<hbm>> -> memref<20000x128xf32, #tpu.memory_space<hbm>>
      tpu.enqueue_indirect_dma source(%dma_start3A_93 : memref<20000x128xf32, #tpu.memory_space<hbm>>) target(%arg9 : memref<128x128xf32, #tpu.memory_space<vmem>>) offsets(%dma_start3A_90 : memref<128xi32, #tpu.memory_space<vmem>>) semaphore(%arg12 : memref<!tpu.dma_semaphore, #tpu.memory_space<semaphore_mem>>)
    }
    %scan3A_33 = arith.constant 16 : i32
    %dma_wait3A = arith.constant 0 : i32
    %dma_wait3A_34 = arith.constant 0 : i32
    %dma_wait3A_35 = tpu.memref_slice %arg6[%dma_wait3A, %dma_wait3A_34] : memref<32x128xi32, #tpu.memory_space<vmem>> -> memref<1x128xi32, #tpu.memory_space<vmem>>
    %dma_wait3A_36 = tpu.memref_squeeze %dma_wait3A_35 : memref<1x128xi32, #tpu.memory_space<vmem>> -> memref<128xi32, #tpu.memory_space<vmem>>
    %dma_wait3A_37 = arith.constant 0 : i32
    %dma_wait3A_38 = arith.constant 0 : i32
    %dma_wait3A_39 = tpu.memref_slice %arg2[%dma_wait3A_37, %dma_wait3A_38] : memref<20000x128xf32, #tpu.memory_space<hbm>> -> memref<20000x128xf32, #tpu.memory_space<hbm>>
    tpu.wait_indirect_dma semaphore(%arg11 : memref<!tpu.dma_semaphore, #tpu.memory_space<semaphore_mem>>) src(%dma_wait3A_39 : memref<20000x128xf32, #tpu.memory_space<hbm>>) dst(%arg8 : memref<128x128xf32, #tpu.memory_space<vmem>>)
    %dma_wait3A_40 = arith.constant 1 : i32
    %dma_wait3A_41 = arith.constant 0 : i32
    %dma_wait3A_42 = tpu.memref_slice %arg6[%dma_wait3A_40, %dma_wait3A_41] : memref<32x128xi32, #tpu.memory_space<vmem>> -> memref<1x128xi32, #tpu.memory_space<vmem>>
    %dma_wait3A_43 = tpu.memref_squeeze %dma_wait3A_42 : memref<1x128xi32, #tpu.memory_space<vmem>> -> memref<128xi32, #tpu.memory_space<vmem>>
    %dma_wait3A_44 = arith.constant 0 : i32
    %dma_wait3A_45 = arith.constant 0 : i32
    %dma_wait3A_46 = tpu.memref_slice %arg2[%dma_wait3A_44, %dma_wait3A_45] : memref<20000x128xf32, #tpu.memory_space<hbm>> -> memref<20000x128xf32, #tpu.memory_space<hbm>>
    tpu.wait_indirect_dma semaphore(%arg12 : memref<!tpu.dma_semaphore, #tpu.memory_space<semaphore_mem>>) src(%dma_wait3A_46 : memref<20000x128xf32, #tpu.memory_space<hbm>>) dst(%arg9 : memref<128x128xf32, #tpu.memory_space<vmem>>)
    %barrier3A_47 = arith.constant 0 : index
    tpu.barrier barrier_id(%barrier3A_47)
    %lt3A_48 = arith.constant 15 : i32
    %lt3A_49 = arith.cmpi slt, %arg1, %lt3A_48 : i32
    %convert_element_type3A_50 = arith.extui %lt3A_49 : i1 to i32
    %cond3A_51 = arith.constant 0 : i32
    %cond3A_52 = arith.cmpi ne, %convert_element_type3A_50, %cond3A_51 : i32
    scf.if %cond3A_52 {
      %mul3A = arith.constant 640 : i32
      %mul3A_58 = arith.muli %arg1, %mul3A : i32
      %multiple_of3A = tpu.assume_multiple %mul3A_58, 8 : i32
      %mul3A_59 = arith.constant 10000 : i32
      %mul3A_60 = arith.muli %arg0, %mul3A_59 : i32
      %add3A = arith.addi %mul3A_60, %multiple_of3A : i32
      %multiple_of3A_61 = tpu.assume_multiple %add3A, 8 : i32
      "tpu.region"() ({
        %run_scoped3A = tpu.sem_alloc : memref<!tpu.dma_semaphore, #tpu.memory_space<semaphore_mem>>
        %dma_start3A_62 = arith.constant 0 : i32
        %dma_start3A_63 = tpu.memref_slice %arg5[%multiple_of3A_61, %dma_start3A_62] : memref<20000x128xf32, #tpu.memory_space<hbm>> -> memref<640x128xf32, #tpu.memory_space<hbm>>
        %dma_start3A_64 = arith.constant 0 : i32
        %dma_start3A_65 = tpu.memref_slice %arg13[%multiple_of3A, %dma_start3A_64] : memref<10000x128xf32, #tpu.memory_space<vmem_shared>> -> memref<640x128xf32, #tpu.memory_space<vmem_shared>>
        tpu.enqueue_dma source(%dma_start3A_65 : memref<640x128xf32, #tpu.memory_space<vmem_shared>>) target(%dma_start3A_63 : memref<640x128xf32, #tpu.memory_space<hbm>>) target_semaphore(%run_scoped3A : memref<!tpu.dma_semaphore, #tpu.memory_space<semaphore_mem>>)
        %dma_wait3A_66 = arith.constant 0 : i32
        %dma_wait3A_67 = tpu.memref_slice %arg5[%multiple_of3A_61, %dma_wait3A_66] : memref<20000x128xf32, #tpu.memory_space<hbm>> -> memref<640x128xf32, #tpu.memory_space<hbm>>
        %dma_wait3A_68 = arith.constant 0 : i32
        %dma_wait3A_69 = tpu.memref_slice %arg13[%multiple_of3A, %dma_wait3A_68] : memref<10000x128xf32, #tpu.memory_space<vmem_shared>> -> memref<640x128xf32, #tpu.memory_space<vmem_shared>>
        tpu.wait_dma2 semaphore(%run_scoped3A : memref<!tpu.dma_semaphore, #tpu.memory_space<semaphore_mem>>) src(%dma_wait3A_69 : memref<640x128xf32, #tpu.memory_space<vmem_shared>>) dst(%dma_wait3A_67 : memref<640x128xf32, #tpu.memory_space<hbm>>)
        tpu.yield
      }) : () -> ()
    } else {
    }
    %eq3A_53 = arith.constant 15 : i32
    %eq3A_54 = arith.cmpi eq, %arg1, %eq3A_53 : i32
    %convert_element_type3A_55 = arith.extui %eq3A_54 : i1 to i32
    %cond3A_56 = arith.constant 0 : i32
    %cond3A_57 = arith.cmpi ne, %convert_element_type3A_55, %cond3A_56 : i32
    scf.if %cond3A_57 {
      %mul3A = arith.constant 10000 : i32
      %mul3A_58 = arith.muli %arg0, %mul3A : i32
      %add3A = arith.constant 9600 : i32
      %add3A_59 = arith.addi %mul3A_58, %add3A : i32
      %multiple_of3A = tpu.assume_multiple %add3A_59, 8 : i32
      "tpu.region"() ({
        %run_scoped3A = tpu.sem_alloc : memref<!tpu.dma_semaphore, #tpu.memory_space<semaphore_mem>>
        %dma_start3A_60 = arith.constant 0 : i32
        %dma_start3A_61 = tpu.memref_slice %arg5[%multiple_of3A, %dma_start3A_60] : memref<20000x128xf32, #tpu.memory_space<hbm>> -> memref<400x128xf32, #tpu.memory_space<hbm>>
        %dma_start3A_62 = arith.constant 9600 : i32
        %dma_start3A_63 = arith.constant 0 : i32
        %dma_start3A_64 = tpu.memref_slice %arg13[%dma_start3A_62, %dma_start3A_63] : memref<10000x128xf32, #tpu.memory_space<vmem_shared>> -> memref<400x128xf32, #tpu.memory_space<vmem_shared>>
        tpu.enqueue_dma source(%dma_start3A_64 : memref<400x128xf32, #tpu.memory_space<vmem_shared>>) target(%dma_start3A_61 : memref<400x128xf32, #tpu.memory_space<hbm>>) target_semaphore(%run_scoped3A : memref<!tpu.dma_semaphore, #tpu.memory_space<semaphore_mem>>)
        %dma_wait3A_65 = arith.constant 0 : i32
        %dma_wait3A_66 = tpu.memref_slice %arg5[%multiple_of3A, %dma_wait3A_65] : memref<20000x128xf32, #tpu.memory_space<hbm>> -> memref<400x128xf32, #tpu.memory_space<hbm>>
        %dma_wait3A_67 = arith.constant 9600 : i32
        %dma_wait3A_68 = arith.constant 0 : i32
        %dma_wait3A_69 = tpu.memref_slice %arg13[%dma_wait3A_67, %dma_wait3A_68] : memref<10000x128xf32, #tpu.memory_space<vmem_shared>> -> memref<400x128xf32, #tpu.memory_space<vmem_shared>>
        tpu.wait_dma2 semaphore(%run_scoped3A : memref<!tpu.dma_semaphore, #tpu.memory_space<semaphore_mem>>) src(%dma_wait3A_69 : memref<400x128xf32, #tpu.memory_space<vmem_shared>>) dst(%dma_wait3A_66 : memref<400x128xf32, #tpu.memory_space<hbm>>)
        tpu.yield
      }) : () -> ()
    } else {
    }
    return
  }
}

module attributes {stable_mosaic.version = 14 : i64} {
  func.func @_layer1_body(%arg0: i32, %arg1: memref<2x1000x128xf32, #tpu.memory_space<vmem>>, %arg2: memref<1000x16xf32, #tpu.memory_space<vmem>>, %arg3: memref<1x256xf32, #tpu.memory_space<vmem>>, %arg4: memref<2x1000x128xf32, #tpu.memory_space<vmem>>) attributes {dimension_semantics = [#tpu.dimension_semantics<arbitrary>], iteration_bounds = array<i64: 10>, scalar_prefetch = 0 : i64, scratch_operands = 0 : i64, tpu.core_type = #tpu.core_type<tc>, window_params = [{transform_indices = @transform_0, window_bounds = array<i64: 2, 1000, 128>}, {transform_indices = @transform_1, window_bounds = array<i64: 1000, 16>}, {pipeline_mode = #tpu.pipeline_mode<synchronous>, transform_indices = @transform_2, window_bounds = array<i64: 1, 256>}, {transform_indices = @transform_3, window_bounds = array<i64: 2, 1000, 128>}]} {
    %get3A = arith.constant 0 : index
    %get3A_0 = arith.constant 0 : index
    %get3A_1 = vector.load %arg2[%get3A, %get3A_0] : memref<1000x16xf32, #tpu.memory_space<vmem>>, vector<1000x1xf32>
    %get3A_2 = arith.constant 0 : index
    %get3A_3 = arith.constant 0 : index
    %get3A_4 = arith.constant 0 : index
    %get3A_5 = vector.load %arg1[%get3A_2, %get3A_3, %get3A_4] : memref<2x1000x128xf32, #tpu.memory_space<vmem>>, vector<1x1000x128xf32>
    %get3A_6 = vector.shape_cast %get3A_5 : vector<1x1000x128xf32> to vector<1000x128xf32>
    %mul3A = vector.broadcast %get3A_1 : vector<1000x1xf32> to vector<1000x128xf32>
    %mul3A_7 = arith.mulf %mul3A, %get3A_6 : vector<1000x128xf32>
    %get3A_8 = arith.constant 0 : index
    %get3A_9 = arith.constant 0 : index
    %get3A_10 = vector.load %arg3[%get3A_8, %get3A_9] : memref<1x256xf32, #tpu.memory_space<vmem>>, vector<1x128xf32>
    %add3A = vector.broadcast %get3A_10 : vector<1x128xf32> to vector<1000x128xf32>
    %add3A_11 = arith.addf %mul3A_7, %add3A : vector<1000x128xf32>
    %max3A = arith.constant 0.000000e+00 : f32
    %max3A_12 = vector.broadcast %max3A : f32 to vector<1000x128xf32>
    %max3A_13 = arith.maximumf %add3A_11, %max3A_12 : vector<1000x128xf32>
    %mul3A_14 = vector.broadcast %get3A_1 : vector<1000x1xf32> to vector<1000x128xf32>
    %mul3A_15 = arith.mulf %mul3A_14, %max3A_13 : vector<1000x128xf32>
    %swap3A = arith.constant 0 : index
    %swap3A_16 = arith.constant 0 : index
    %swap3A_17 = arith.constant 0 : index
    %swap3A_18 = vector.load %arg4[%swap3A, %swap3A_16, %swap3A_17] : memref<2x1000x128xf32, #tpu.memory_space<vmem>>, vector<1x1000x128xf32>
    %swap3A_19 = vector.shape_cast %swap3A_18 : vector<1x1000x128xf32> to vector<1000x128xf32>
    %swap3A_20 = vector.shape_cast %mul3A_15 : vector<1000x128xf32> to vector<1x1000x128xf32>
    tpu.vector_store %arg4[%swap3A, %swap3A_16, %swap3A_17], %swap3A_20 {strides = array<i32>} : memref<2x1000x128xf32, #tpu.memory_space<vmem>>, vector<1x1000x128xf32>,
    %get3A_21 = arith.constant 1 : index
    %get3A_22 = arith.constant 0 : index
    %get3A_23 = arith.constant 0 : index
    %get3A_24 = vector.load %arg1[%get3A_21, %get3A_22, %get3A_23] : memref<2x1000x128xf32, #tpu.memory_space<vmem>>, vector<1x1000x128xf32>
    %get3A_25 = vector.shape_cast %get3A_24 : vector<1x1000x128xf32> to vector<1000x128xf32>
    %mul3A_26 = vector.broadcast %get3A_1 : vector<1000x1xf32> to vector<1000x128xf32>
    %mul3A_27 = arith.mulf %mul3A_26, %get3A_25 : vector<1000x128xf32>
    %get3A_28 = arith.constant 0 : index
    %get3A_29 = arith.constant 128 : index
    %get3A_30 = vector.load %arg3[%get3A_28, %get3A_29] : memref<1x256xf32, #tpu.memory_space<vmem>>, vector<1x128xf32>
    %add3A_31 = vector.broadcast %get3A_30 : vector<1x128xf32> to vector<1000x128xf32>
    %add3A_32 = arith.addf %mul3A_27, %add3A_31 : vector<1000x128xf32>
    %max3A_33 = arith.constant 0.000000e+00 : f32
    %max3A_34 = vector.broadcast %max3A_33 : f32 to vector<1000x128xf32>
    %max3A_35 = arith.maximumf %add3A_32, %max3A_34 : vector<1000x128xf32>
    %mul3A_36 = vector.broadcast %get3A_1 : vector<1000x1xf32> to vector<1000x128xf32>
    %mul3A_37 = arith.mulf %mul3A_36, %max3A_35 : vector<1000x128xf32>
    %swap3A_38 = arith.constant 1 : index
    %swap3A_39 = arith.constant 0 : index
    %swap3A_40 = arith.constant 0 : index
    %swap3A_41 = vector.load %arg4[%swap3A_38, %swap3A_39, %swap3A_40] : memref<2x1000x128xf32, #tpu.memory_space<vmem>>, vector<1x1000x128xf32>
    %swap3A_42 = vector.shape_cast %swap3A_41 : vector<1x1000x128xf32> to vector<1000x128xf32>
    %swap3A_43 = vector.shape_cast %mul3A_37 : vector<1000x128xf32> to vector<1x1000x128xf32>
    tpu.vector_store %arg4[%swap3A_38, %swap3A_39, %swap3A_40], %swap3A_43 {strides = array<i32>} : memref<2x1000x128xf32, #tpu.memory_space<vmem>>, vector<1x1000x128xf32>,
    return
  }
  func.func @transform_0(%arg0: i32) -> (i32, i32, i32) {
    %c0_i32 = arith.constant 0 : i32
    %c0_i32_0 = arith.constant 0 : i32
    %c0_i32_1 = arith.constant 0 : i32
    return %c0_i32, %arg0, %c0_i32_0 : i32, i32, i32
  }
  func.func @transform_1(%arg0: i32) -> (i32, i32) {
    %c0_i32 = arith.constant 0 : i32
    %c0_i32_0 = arith.constant 0 : i32
    return %arg0, %c0_i32 : i32, i32
  }
  func.func @transform_2(%arg0: i32) -> (i32, i32) {
    %c0_i32 = arith.constant 0 : i32
    %c0_i32_0 = arith.constant 0 : i32
    %c0_i32_1 = arith.constant 0 : i32
    return %c0_i32, %c0_i32_0 : i32, i32
  }
  func.func @transform_3(%arg0: i32) -> (i32, i32, i32) {
    %c0_i32 = arith.constant 0 : i32
    %c0_i32_0 = arith.constant 0 : i32
    %c0_i32_1 = arith.constant 0 : i32
    return %c0_i32, %arg0, %c0_i32_0 : i32, i32, i32
  }
}

module attributes {stable_mosaic.version = 14 : i64} {
  func.func @_fused1_body(%arg0: i32, %arg1: memref<2x1000x16xf32, #tpu.memory_space<vmem>>, %arg2: memref<1000x1024xf32, #tpu.memory_space<vmem>>, %arg3: memref<1024x256xf32, #tpu.memory_space<vmem>>, %arg4: memref<1000x16xf32, #tpu.memory_space<vmem>>, %arg5: memref<2x1000x128xf32, #tpu.memory_space<vmem>>) attributes {dimension_semantics = [#tpu.dimension_semantics<arbitrary>], iteration_bounds = array<i64: 10>, scalar_prefetch = 0 : i64, scratch_operands = 0 : i64, tpu.core_type = #tpu.core_type<tc>, window_params = [{transform_indices = @transform_0, window_bounds = array<i64: 2, 1000, 16>}, {transform_indices = @transform_1, window_bounds = array<i64: 1000, 1024>}, {pipeline_mode = #tpu.pipeline_mode<synchronous>, transform_indices = @transform_2, window_bounds = array<i64: 1024, 256>}, {transform_indices = @transform_3, window_bounds = array<i64: 1000, 16>}, {transform_indices = @transform_4, window_bounds = array<i64: 2, 1000, 128>}]} {
    %get3A = arith.constant 0 : index
    %get3A_0 = arith.constant 0 : index
    %get3A_1 = arith.constant 0 : index
    %get3A_2 = vector.load %arg1[%get3A, %get3A_0, %get3A_1] : memref<2x1000x16xf32, #tpu.memory_space<vmem>>, vector<1x1000x16xf32>
    %get3A_3 = vector.shape_cast %get3A_2 : vector<1x1000x16xf32> to vector<1000x16xf32>
    %get3A_4 = arith.constant 1 : index
    %get3A_5 = arith.constant 0 : index
    %get3A_6 = arith.constant 0 : index
    %get3A_7 = vector.load %arg1[%get3A_4, %get3A_5, %get3A_6] : memref<2x1000x16xf32, #tpu.memory_space<vmem>>, vector<1x1000x16xf32>
    %get3A_8 = vector.shape_cast %get3A_7 : vector<1x1000x16xf32> to vector<1000x16xf32>
    %add3A = arith.addf %get3A_3, %get3A_8 : vector<1000x16xf32>
    %add3A_9 = arith.constant 1.000000e+00 : f32
    %add3A_10 = vector.broadcast %add3A_9 : f32 to vector<1000x16xf32>
    %add3A_11 = arith.addf %add3A, %add3A_10 : vector<1000x16xf32>
    %rsqrt3A = math.rsqrt %add3A_11 : vector<1000x16xf32>
    %swap3A = arith.constant 0 : index
    %swap3A_12 = arith.constant 0 : index
    %swap3A_13 = vector.load %arg4[%swap3A, %swap3A_12] : memref<1000x16xf32, #tpu.memory_space<vmem>>, vector<1000x16xf32>
    tpu.vector_store %arg4[%swap3A, %swap3A_12], %rsqrt3A {strides = array<i32>} : memref<1000x16xf32, #tpu.memory_space<vmem>>, vector<1000x16xf32>,
    %get3A_14 = arith.constant 0 : index
    %get3A_15 = arith.constant 0 : index
    %get3A_16 = vector.load %arg2[%get3A_14, %get3A_15] : memref<1000x1024xf32, #tpu.memory_space<vmem>>, vector<1000x1024xf32>
    %convert_element_type3A = arith.truncf %get3A_16 : vector<1000x1024xf32> to vector<1000x1024xbf16>
    %get3A_17 = arith.constant 0 : index
    %get3A_18 = arith.constant 0 : index
    %get3A_19 = vector.load %arg3[%get3A_17, %get3A_18] : memref<1024x256xf32, #tpu.memory_space<vmem>>, vector<1024x256xf32>
    %convert_element_type3A_20 = arith.truncf %get3A_19 : vector<1024x256xf32> to vector<1024x256xbf16>
    %dot_general3A = arith.constant dense<0.000000e+00> : vector<1000x256xf32>
    %dot_general3A_21 = tpu.matmul %convert_element_type3A, %convert_element_type3A_20, %dot_general3A {dimension_numbers = #tpu.dot_dimension_numbers<[1], [0], [0], [1], [0, 0, 1, 1], [], []>, transpose_lhs_hint = false} : vector<1000x1024xbf16>, vector<1024x256xbf16>, vector<1000x256xf32> -> vector<1000x256xf32>
    %slice3A = vector.extract_strided_slice %rsqrt3A {offsets = [0, 0], sizes = [1000, 1], strides = [1, 1]} : vector<1000x16xf32> to vector<1000x1xf32>
    %mul3A = vector.broadcast %slice3A : vector<1000x1xf32> to vector<1000x256xf32>
    %mul3A_22 = arith.mulf %dot_general3A_21, %mul3A : vector<1000x256xf32>
    %slice3A_23 = vector.extract_strided_slice %mul3A_22 {offsets = [0, 0], sizes = [1000, 128], strides = [1, 1]} : vector<1000x256xf32> to vector<1000x128xf32>
    %swap3A_24 = arith.constant 0 : index
    %swap3A_25 = arith.constant 0 : index
    %swap3A_26 = arith.constant 0 : index
    %swap3A_27 = vector.load %arg5[%swap3A_24, %swap3A_25, %swap3A_26] : memref<2x1000x128xf32, #tpu.memory_space<vmem>>, vector<1x1000x128xf32>
    %swap3A_28 = vector.shape_cast %swap3A_27 : vector<1x1000x128xf32> to vector<1000x128xf32>
    %swap3A_29 = vector.shape_cast %slice3A_23 : vector<1000x128xf32> to vector<1x1000x128xf32>
    tpu.vector_store %arg5[%swap3A_24, %swap3A_25, %swap3A_26], %swap3A_29 {strides = array<i32>} : memref<2x1000x128xf32, #tpu.memory_space<vmem>>, vector<1x1000x128xf32>,
    %slice3A_30 = vector.extract_strided_slice %mul3A_22 {offsets = [0, 128], sizes = [1000, 128], strides = [1, 1]} : vector<1000x256xf32> to vector<1000x128xf32>
    %swap3A_31 = arith.constant 1 : index
    %swap3A_32 = arith.constant 0 : index
    %swap3A_33 = arith.constant 0 : index
    %swap3A_34 = vector.load %arg5[%swap3A_31, %swap3A_32, %swap3A_33] : memref<2x1000x128xf32, #tpu.memory_space<vmem>>, vector<1x1000x128xf32>
    %swap3A_35 = vector.shape_cast %swap3A_34 : vector<1x1000x128xf32> to vector<1000x128xf32>
    %swap3A_36 = vector.shape_cast %slice3A_30 : vector<1000x128xf32> to vector<1x1000x128xf32>
    tpu.vector_store %arg5[%swap3A_31, %swap3A_32, %swap3A_33], %swap3A_36 {strides = array<i32>} : memref<2x1000x128xf32, #tpu.memory_space<vmem>>, vector<1x1000x128xf32>,
    return
  }
  func.func @transform_0(%arg0: i32) -> (i32, i32, i32) {
    %c0_i32 = arith.constant 0 : i32
    %c0_i32_0 = arith.constant 0 : i32
    %c0_i32_1 = arith.constant 0 : i32
    return %c0_i32, %arg0, %c0_i32_0 : i32, i32, i32
  }
  func.func @transform_1(%arg0: i32) -> (i32, i32) {
    %c0_i32 = arith.constant 0 : i32
    %c0_i32_0 = arith.constant 0 : i32
    return %arg0, %c0_i32 : i32, i32
  }
  func.func @transform_2(%arg0: i32) -> (i32, i32) {
    %c0_i32 = arith.constant 0 : i32
    %c0_i32_0 = arith.constant 0 : i32
    %c0_i32_1 = arith.constant 0 : i32
    return %c0_i32, %c0_i32_0 : i32, i32
  }
  func.func @transform_3(%arg0: i32) -> (i32, i32) {
    %c0_i32 = arith.constant 0 : i32
    %c0_i32_0 = arith.constant 0 : i32
    return %arg0, %c0_i32 : i32, i32
  }
  func.func @transform_4(%arg0: i32) -> (i32, i32, i32) {
    %c0_i32 = arith.constant 0 : i32
    %c0_i32_0 = arith.constant 0 : i32
    %c0_i32_1 = arith.constant 0 : i32
    return %c0_i32, %arg0, %c0_i32_0 : i32, i32, i32
  }
}

module attributes {stable_mosaic.version = 14 : i64} {
  func.func @_pool_body(%arg0: i32, %arg1: memref<2x1000x128xf32, #tpu.memory_space<vmem>>, %arg2: memref<1000x16xf32, #tpu.memory_space<vmem>>, %arg3: memref<1x1x1000xi32, #tpu.memory_space<vmem>>, %arg4: memref<256x1024xf32, #tpu.memory_space<vmem>>, %arg5: memref<1x1024xf32, #tpu.memory_space<vmem>>, %arg6: memref<64x1024xf32, #tpu.memory_space<vmem>>, %arg7: memref<64x256xf32, #tpu.memory_space<vmem>>, %arg8: memref<64x128xf32, #tpu.memory_space<vmem>>) attributes {dimension_semantics = [#tpu.dimension_semantics<arbitrary>], iteration_bounds = array<i64: 10>, scalar_prefetch = 0 : i64, scratch_operands = 2 : i64, tpu.core_type = #tpu.core_type<tc>, window_params = [{transform_indices = @transform_0, window_bounds = array<i64: 2, 1000, 128>}, {transform_indices = @transform_1, window_bounds = array<i64: 1000, 16>}, {transform_indices = @transform_2, window_bounds = array<i64: 1, 1, 1000>}, {pipeline_mode = #tpu.pipeline_mode<synchronous>, transform_indices = @transform_3, window_bounds = array<i64: 256, 1024>}, {pipeline_mode = #tpu.pipeline_mode<synchronous>, transform_indices = @transform_4, window_bounds = array<i64: 1, 1024>}, {pipeline_mode = #tpu.pipeline_mode<synchronous>, transform_indices = @transform_5, window_bounds = array<i64: 64, 1024>}]} {
    %eq3A = arith.constant 0 : i32
    %eq3A_0 = arith.cmpi eq, %arg0, %eq3A : i32
    %convert_element_type3A = arith.extui %eq3A_0 : i1 to i32
    %cond3A = arith.constant 0 : i32
    %cond3A_1 = arith.cmpi ne, %convert_element_type3A, %cond3A : i32
    scf.if %cond3A_1 {
      %broadcast_in_dim3A_56 = arith.constant 0.000000e+00 : f32
      %broadcast_in_dim3A_57 = vector.broadcast %broadcast_in_dim3A_56 : f32 to vector<64x256xf32>
      %swap3A_58 = arith.constant 0 : index
      %swap3A_59 = arith.constant 0 : index
      %swap3A_60 = vector.load %arg7[%swap3A_58, %swap3A_59] : memref<64x256xf32, #tpu.memory_space<vmem>>, vector<64x256xf32>
      tpu.vector_store %arg7[%swap3A_58, %swap3A_59], %broadcast_in_dim3A_57 {strides = array<i32>} : memref<64x256xf32, #tpu.memory_space<vmem>>, vector<64x256xf32>,
      %broadcast_in_dim3A_61 = arith.constant 0.000000e+00 : f32
      %broadcast_in_dim3A_62 = vector.broadcast %broadcast_in_dim3A_61 : f32 to vector<64x128xf32>
      %swap3A_63 = arith.constant 0 : index
      %swap3A_64 = arith.constant 0 : index
      %swap3A_65 = vector.load %arg8[%swap3A_63, %swap3A_64] : memref<64x128xf32, #tpu.memory_space<vmem>>, vector<64x128xf32>
      tpu.vector_store %arg8[%swap3A_63, %swap3A_64], %broadcast_in_dim3A_62 {strides = array<i32>} : memref<64x128xf32, #tpu.memory_space<vmem>>, vector<64x128xf32>,
    } else {
    }
    %get3A = arith.constant 0 : index
    %get3A_2 = arith.constant 0 : index
    %get3A_3 = vector.load %arg2[%get3A, %get3A_2] : memref<1000x16xf32, #tpu.memory_space<vmem>>, vector<1000x1xf32>
    %get3A_4 = arith.constant 0 : index
    %get3A_5 = arith.constant 0 : index
    %get3A_6 = arith.constant 0 : index
    %get3A_7 = vector.load %arg3[%get3A_4, %get3A_5, %get3A_6] : memref<1x1x1000xi32, #tpu.memory_space<vmem>>, vector<1x1x1000xi32>
    %get3A_8 = vector.shape_cast %get3A_7 : vector<1x1x1000xi32> to vector<1000xi32>
    %iota3A = tpu.iota {dimensions = array<i32: 0>} : vector<64x1000xi32>
    %broadcast_in_dim3A = vector.shape_cast %get3A_8 : vector<1000xi32> to vector<1x1000xi32>
    %eq3A_9 = vector.broadcast %broadcast_in_dim3A : vector<1x1000xi32> to vector<64x1000xi32>
    %eq3A_10 = arith.cmpi eq, %iota3A, %eq3A_9 : vector<64x1000xi32>
    %convert_element_type3A_11 = arith.extui %eq3A_10 : vector<64x1000xi1> to vector<64x1000xi32>
    %convert_element_type3A_12 = arith.sitofp %convert_element_type3A_11 : vector<64x1000xi32> to vector<64x1000xf32>
    %get3A_13 = arith.constant 0 : index
    %get3A_14 = arith.constant 0 : index
    %get3A_15 = arith.constant 0 : index
    %get3A_16 = vector.load %arg1[%get3A_13, %get3A_14, %get3A_15] : memref<2x1000x128xf32, #tpu.memory_space<vmem>>, vector<1x1000x128xf32>
    %get3A_17 = vector.shape_cast %get3A_16 : vector<1x1000x128xf32> to vector<1000x128xf32>
    %mul3A = vector.broadcast %get3A_3 : vector<1000x1xf32> to vector<1000x128xf32>
    %mul3A_18 = arith.mulf %mul3A, %get3A_17 : vector<1000x128xf32>
    %get3A_19 = arith.constant 0 : index
    %get3A_20 = arith.constant 0 : index
    %get3A_21 = vector.load %arg7[%get3A_19, %get3A_20] : memref<64x256xf32, #tpu.memory_space<vmem>>, vector<64x128xf32>
    %dot_general3A = arith.constant dense<0.000000e+00> : vector<64x128xf32>
    %dot_general3A_22 = tpu.matmul %convert_element_type3A_12, %mul3A_18, %dot_general3A {dimension_numbers = #tpu.dot_dimension_numbers<[1], [0], [0], [1], [0, 0, 1, 1], [], []>, transpose_lhs_hint = false} : vector<64x1000xf32>, vector<1000x128xf32>, vector<64x128xf32> -> vector<64x128xf32>
    %add3A = arith.addf %get3A_21, %dot_general3A_22 : vector<64x128xf32>
    %swap3A = arith.constant 0 : index
    %swap3A_23 = arith.constant 0 : index
    %swap3A_24 = vector.load %arg7[%swap3A, %swap3A_23] : memref<64x256xf32, #tpu.memory_space<vmem>>, vector<64x128xf32>
    tpu.vector_store %arg7[%swap3A, %swap3A_23], %add3A {strides = array<i32>} : memref<64x256xf32, #tpu.memory_space<vmem>>, vector<64x128xf32>,
    %get3A_25 = arith.constant 1 : index
    %get3A_26 = arith.constant 0 : index
    %get3A_27 = arith.constant 0 : index
    %get3A_28 = vector.load %arg1[%get3A_25, %get3A_26, %get3A_27] : memref<2x1000x128xf32, #tpu.memory_space<vmem>>, vector<1x1000x128xf32>
    %get3A_29 = vector.shape_cast %get3A_28 : vector<1x1000x128xf32> to vector<1000x128xf32>
    %mul3A_30 = vector.broadcast %get3A_3 : vector<1000x1xf32> to vector<1000x128xf32>
    %mul3A_31 = arith.mulf %mul3A_30, %get3A_29 : vector<1000x128xf32>
    %get3A_32 = arith.constant 0 : index
    %get3A_33 = arith.constant 128 : index
    %get3A_34 = vector.load %arg7[%get3A_32, %get3A_33] : memref<64x256xf32, #tpu.memory_space<vmem>>, vector<64x128xf32>
    %dot_general3A_35 = arith.constant dense<0.000000e+00> : vector<64x128xf32>
    %dot_general3A_36 = tpu.matmul %convert_element_type3A_12, %mul3A_31, %dot_general3A_35 {dimension_numbers = #tpu.dot_dimension_numbers<[1], [0], [0], [1], [0, 0, 1, 1], [], []>, transpose_lhs_hint = false} : vector<64x1000xf32>, vector<1000x128xf32>, vector<64x128xf32> -> vector<64x128xf32>
    %add3A_37 = arith.addf %get3A_34, %dot_general3A_36 : vector<64x128xf32>
    %swap3A_38 = arith.constant 0 : index
    %swap3A_39 = arith.constant 128 : index
    %swap3A_40 = vector.load %arg7[%swap3A_38, %swap3A_39] : memref<64x256xf32, #tpu.memory_space<vmem>>, vector<64x128xf32>
    tpu.vector_store %arg7[%swap3A_38, %swap3A_39], %add3A_37 {strides = array<i32>} : memref<64x256xf32, #tpu.memory_space<vmem>>, vector<64x128xf32>,
    %get3A_41 = arith.constant 0 : index
    %get3A_42 = arith.constant 0 : index
    %get3A_43 = vector.load %arg8[%get3A_41, %get3A_42] : memref<64x128xf32, #tpu.memory_space<vmem>>, vector<64x128xf32>
    %reduce_sum3A = arith.constant dense<0.000000e+00> : vector<64xf32>
    %reduce_sum3A_44 = vector.multi_reduction <add>, %convert_element_type3A_12, %reduce_sum3A [1] : vector<64x1000xf32> to vector<64xf32>
    %broadcast_in_dim3A_45 = vector.shape_cast %reduce_sum3A_44 : vector<64xf32> to vector<64x1xf32>
    %add3A_46 = vector.broadcast %broadcast_in_dim3A_45 : vector<64x1xf32> to vector<64x128xf32>
    %add3A_47 = arith.addf %get3A_43, %add3A_46 : vector<64x128xf32>
    %swap3A_48 = arith.constant 0 : index
    %swap3A_49 = arith.constant 0 : index
    %swap3A_50 = vector.load %arg8[%swap3A_48, %swap3A_49] : memref<64x128xf32, #tpu.memory_space<vmem>>, vector<64x128xf32>
    tpu.vector_store %arg8[%swap3A_48, %swap3A_49], %add3A_47 {strides = array<i32>} : memref<64x128xf32, #tpu.memory_space<vmem>>, vector<64x128xf32>,
    %eq3A_51 = arith.constant 9 : i32
    %eq3A_52 = arith.cmpi eq, %arg0, %eq3A_51 : i32
    %convert_element_type3A_53 = arith.extui %eq3A_52 : i1 to i32
    %cond3A_54 = arith.constant 0 : i32
    %cond3A_55 = arith.cmpi ne, %convert_element_type3A_53, %cond3A_54 : i32
    scf.if %cond3A_55 {
      %get3A_56 = arith.constant 0 : index
      %get3A_57 = arith.constant 0 : index
      %get3A_58 = vector.load %arg8[%get3A_56, %get3A_57] : memref<64x128xf32, #tpu.memory_space<vmem>>, vector<64x1xf32>
      %get3A_59 = arith.constant 0 : index
      %get3A_60 = arith.constant 0 : index
      %get3A_61 = vector.load %arg7[%get3A_59, %get3A_60] : memref<64x256xf32, #tpu.memory_space<vmem>>, vector<64x256xf32>
      %max3A = arith.constant 1.000000e+00 : f32
      %max3A_62 = vector.broadcast %max3A : f32 to vector<64x1xf32>
      %max3A_63 = arith.maximumf %get3A_58, %max3A_62 : vector<64x1xf32>
      %div3A = vector.broadcast %max3A_63 : vector<64x1xf32> to vector<64x256xf32>
      %div3A_64 = arith.divf %get3A_61, %div3A : vector<64x256xf32>
      %get3A_65 = arith.constant 0 : index
      %get3A_66 = arith.constant 0 : index
      %get3A_67 = vector.load %arg4[%get3A_65, %get3A_66] : memref<256x1024xf32, #tpu.memory_space<vmem>>, vector<256x1024xf32>
      %dot_general3A_68 = arith.constant dense<0.000000e+00> : vector<64x1024xf32>
      %dot_general3A_69 = tpu.matmul %div3A_64, %get3A_67, %dot_general3A_68 {dimension_numbers = #tpu.dot_dimension_numbers<[1], [0], [0], [1], [0, 0, 1, 1], [], []>, transpose_lhs_hint = false} : vector<64x256xf32>, vector<256x1024xf32>, vector<64x1024xf32> -> vector<64x1024xf32>
      %get3A_70 = arith.constant 0 : index
      %get3A_71 = arith.constant 0 : index
      %get3A_72 = vector.load %arg5[%get3A_70, %get3A_71] : memref<1x1024xf32, #tpu.memory_space<vmem>>, vector<1x1024xf32>
      %add3A_73 = vector.broadcast %get3A_72 : vector<1x1024xf32> to vector<64x1024xf32>
      %add3A_74 = arith.addf %dot_general3A_69, %add3A_73 : vector<64x1024xf32>
      %gt3A = arith.constant 0.000000e+00 : f32
      %gt3A_75 = vector.broadcast %gt3A : f32 to vector<64x1xf32>
      %gt3A_76 = arith.cmpf ogt, %get3A_58, %gt3A_75 : vector<64x1xf32>
      %jit3A = arith.constant 0.000000e+00 : f32
      %broadcast_in_dim3A_77 = vector.shape_cast %gt3A_76 : vector<64x1xi1> to vector<64x1xi1>
      %broadcast_in_dim3A_78 = vector.broadcast %broadcast_in_dim3A_77 : vector<64x1xi1> to vector<64x1024xi1>
      %broadcast_in_dim3A_79 = vector.broadcast %jit3A : f32 to vector<64x1024xf32>
      %select_n3A = arith.select %broadcast_in_dim3A_78, %add3A_74, %broadcast_in_dim3A_79 : vector<64x1024xi1>, vector<64x1024xf32>
      %swap3A_80 = arith.constant 0 : index
      %swap3A_81 = arith.constant 0 : index
      %swap3A_82 = vector.load %arg6[%swap3A_80, %swap3A_81] : memref<64x1024xf32, #tpu.memory_space<vmem>>, vector<64x1024xf32>
      tpu.vector_store %arg6[%swap3A_80, %swap3A_81], %select_n3A {strides = array<i32>} : memref<64x1024xf32, #tpu.memory_space<vmem>>, vector<64x1024xf32>,
    } else {
    }
    return
  }
  func.func @transform_0(%arg0: i32) -> (i32, i32, i32) {
    %c0_i32 = arith.constant 0 : i32
    %c0_i32_0 = arith.constant 0 : i32
    %c0_i32_1 = arith.constant 0 : i32
    return %c0_i32, %arg0, %c0_i32_0 : i32, i32, i32
  }
  func.func @transform_1(%arg0: i32) -> (i32, i32) {
    %c0_i32 = arith.constant 0 : i32
    %c0_i32_0 = arith.constant 0 : i32
    return %arg0, %c0_i32 : i32, i32
  }
  func.func @transform_2(%arg0: i32) -> (i32, i32, i32) {
    %c0_i32 = arith.constant 0 : i32
    %c0_i32_0 = arith.constant 0 : i32
    %c0_i32_1 = arith.constant 0 : i32
    return %arg0, %c0_i32, %c0_i32_0 : i32, i32, i32
  }
  func.func @transform_3(%arg0: i32) -> (i32, i32) {
    %c0_i32 = arith.constant 0 : i32
    %c0_i32_0 = arith.constant 0 : i32
    %c0_i32_1 = arith.constant 0 : i32
    return %c0_i32, %c0_i32_0 : i32, i32
  }
  func.func @transform_4(%arg0: i32) -> (i32, i32) {
    %c0_i32 = arith.constant 0 : i32
    %c0_i32_0 = arith.constant 0 : i32
    %c0_i32_1 = arith.constant 0 : i32
    return %c0_i32, %c0_i32_0 : i32, i32
  }
  func.func @transform_5(%arg0: i32) -> (i32, i32) {
    %c0_i32 = arith.constant 0 : i32
    %c0_i32_0 = arith.constant 0 : i32
    %c0_i32_1 = arith.constant 0 : i32
    return %c0_i32, %c0_i32_0 : i32, i32
  }
}

</mosaic_0001>

<sc_bundles>
// kernel: kernel.11.cloned.1.call-start
scs
__scs_entry_jumppad:
0x0: {  	(pc) =	sbr.rel $0x88, $3  }
0x1: {  	(tag) =	ssettag $0x0;
	lr =	simm.s32 $0x1  }
0x2: {  	[smem:$0x3F9A] =	sst lr;
	_ =	strace $0xD0000000  }
0x3: {  	_ = 	snop  }
0x4: {  	_ = 	snop  }
0x5: {  	_ = 	snop  }
0x6: {  	_ = 	snop  }
0x7: {  	_ = 	snop  }
__scs_overlays_trampoline_lowered:
0x8: {  	[smem:$0x3FA9] =	sst s0  }
0x9: {  	[smem:$0x3FAA] =	sst s1  }
0xa: {  	[smem:$0x3FAB] =	sst s2  }
0xb: {  	[smem:$0x3FAC] =	sst s3  }
0xc: {  	[smem:$0x3FAD] =	sst s4  }
0xd: {  	[smem:$0x3FAE] =	sst s5  }
0xe: {  	[smem:$0x3FAF] =	sst s6  }
0xf: {  	[smem:$0x3FB0] =	sst s7  }
0x10: {  	[smem:$0x3FB1] =	sst s8  }
0x11: {  	[smem:$0x3FB2] =	sst s9;
	s0 =	simm.s32 @!p0 $0x0  }
0x12: {  	s1 =	sld [smem:$0x3F98];
	s0 =	simm.s32 @p0 $0x1  }
0x13: {  	[smem:$0x3FB3] =	sst s0;
	s0 =	simm.s32 @!p1 $0x0  }
0x14: {  	s2 =	sld [smem:$0x3F97];
	s0 =	simm.s32 @p1 $0x1  }
0x15: {  	[smem:$0x3FB4] =	sst s0;
	s0 =	simm.s32 @!p2 $0x0  }
0x16: {  	s3 =	sld [smem:$0x3FDB];
	s0 =	simm.s32 @p2 $0x1  }
0x17: {  	s4 =	simm.s32 $0x1BF5;
	[smem:$0x3FB6] =	sst s0  }
0x18: {  	s0 =	sld [smem:$0x3F99];
	_ =	swait.ge [sflag:s4], $0x0  }
0x19: {  	s7 =	sld [smem:$0x3F9A]  }
0x1a: {  	s8 =	sadd.s32 $0xFFFFE003, lr  }
0x1b: {  	s9 =	sadd.s32 $0xFFFFFEF7, lr;
	s5 =	simm.s32 $0xFFFFFFFF;
	p2 =	slt.u32 s8, $0xFFFFF086  }
0x1c: {  	p1 =	slt.u32 s9, $0xF7A;
	s5 =	simm.s32 @!p2 $0x0  }
0x1d: {  	s5 =	simm.s32 @p1 $0x1;
	p0 =	seq.s32 s7, s2  }
0x1e: {  	s7 =	smul.u32 @!p0 $0xF7A, s2;
	p2 =	seq.s32 @!p0 s5, $0x0  }
0x1f: {  	s9 =	smul.u32 $0xF7A, s1;
	s8 =	simm.s32 @!p0 $0x1BF5;
	p2 =	por !p2, p0  }
0x20: {  	[sflag:s8] =	ssyncset.s32 @!p0 $0xFFFFF086;
	s6 =	sadd.s32 @!p0 s3, s7;
	s7 =	simm.s32 @!p0 $0x108  }
0x21: {  	s3 =	sadd.s32 s3, s9;
	s6 =	sadd.s32 @!p0 $0x88, s6;
	s7 =	simm.s32 @p2 $0x1082  }
0x22: {  	[simem:s7], [sflag:s8] =	dma.local @!p0 [hbm:s6], $0xF7A  }
0x23: {  	s9 =	sor.u32 $0xD0000000, s2;
	s6 =	simm.s32 $0x108;
	_ =	swait.ge @!p0 [sflag:s8], $0x0  }
0x24: {  	s3 =	sadd.s32 $0x88, s3;
	s6 =	simm.s32 @!p1 $0x1082;
	[sflag:s4] =	ssyncset.s32 $0xFFFFF086  }
0x25: {  	[simem:s6], [sflag:s4] =	dma.local [hbm:s3], $0xF7A  }
0x26: {  	[smem:$0x3F9A] =	sst s1;
	(tag) =	ssettag s2;
	_ =	strace s9  }
0x27: {  	s1 =	sld [smem:$0x3FAA]  }
0x28: {  	s2 =	sld [smem:$0x3FAB]  }
0x29: {  	s4 =	sld [smem:$0x3FAD]  }
0x2a: {  	p0 =	seq.s32 s5, $0x0;
	s5 =	sld [smem:$0x3FAE]  }
0x2b: {  	s6 =	sld [smem:$0x3FAF]  }
0x2c: {  	s7 =	sld [smem:$0x3FB0]  }
0x2d: {  	s3 =	simm.s32 $0x108;
	s8 =	sld [smem:$0x3FB1]  }
0x2e: {  	s3 =	simm.s32 @!p0 $0x1082;
	s9 =	sld [smem:$0x3FB2]  }
0x2f: {  	lr =	sadd.s32 s0, s3;
	s0 =	sld [smem:$0x3FA9]  }
0x30: {  	s3 =	sld [smem:$0x3FAC]  }
0x31: {  	[smem:$0x3FB5] =	sst s10  }
0x32: {  	s10 =	sld [smem:$0x3FB3];
	_ =	sdelay $0x3  }
0x33: {  	p0 =	seq.s32 s10, $0x1;
	s10 =	sld [smem:$0x3FB5];
	_ =	sdelay $0x3  }
0x34: {  	[smem:$0x3FB5] =	sst s10  }
0x35: {  	s10 =	sld [smem:$0x3FB4];
	_ =	sdelay $0x3  }
0x36: {  	p1 =	seq.s32 s10, $0x1;
	s10 =	sld [smem:$0x3FB5];
	_ =	sdelay $0x3  }
0x37: {  	[smem:$0x3FB5] =	sst s10  }
0x38: {  	s10 =	sld [smem:$0x3FB6]  }
0x39: {  	_ = 	snop;
	(pc) =	sbr.ind lr, $3  }
0x3a: {  	_ = 	snop  }
0x3b: {  	_ = 	snop  }
0x3c: {  	p2 =	seq.s32 s10, $0x1;
	s10 =	sld [smem:$0x3FB5]  }
0x3d: {  	_ =	shalt  }
0x3e: {  	_ =	shalt  }
0x3f: {  	_ =	shalt  }
0x40: {  	_ =	shalt  }
0x41: {  	_ =	shalt  }
0x42: {  	_ =	shalt  }
0x43: {  	_ =	shalt  }
0x44: {  	_ =	shalt  }
0x45: {  	_ =	shalt  }
0x46: {  	_ =	shalt  }
0x47: {  	_ =	shalt  }
0x48: {  	_ =	shalt  }
0x49: {  	_ =	shalt  }
0x4a: {  	_ =	shalt  }
0x4b: {  	_ =	shalt  }
0x4c: {  	_ =	shalt  }
0x4d: {  	_ =	shalt  }
0x4e: {  	_ =	shalt  }
0x4f: {  	_ =	shalt  }
0x50: {  	_ =	shalt  }
0x51: {  	_ =	shalt  }
0x52: {  	_ =	shalt  }
0x53: {  	_ =	shalt  }
0x54: {  	_ =	shalt  }
0x55: {  	_ =	shalt  }
0x56: {  	_ =	shalt  }
0x57: {  	_ =	shalt  }
0x58: {  	_ =	shalt  }
0x59: {  	_ =	shalt  }
0x5a: {  	_ =	shalt  }
0x5b: {  	_ =	shalt  }
0x5c: {  	_ =	shalt  }
0x5d: {  	_ =	shalt  }
0x5e: {  	_ =	shalt  }
0x5f: {  	_ =	shalt  }
0x60: {  	_ =	shalt  }
0x61: {  	_ =	shalt  }
0x62: {  	_ =	shalt  }
0x63: {  	_ =	shalt  }
0x64: {  	_ =	shalt  }
0x65: {  	_ =	shalt  }
0x66: {  	_ =	shalt  }
0x67: {  	_ =	shalt  }
0x68: {  	_ =	shalt  }
0x69: {  	_ =	shalt  }
0x6a: {  	_ =	shalt  }
0x6b: {  	_ =	shalt  }
0x6c: {  	_ =	shalt  }
0x6d: {  	_ =	shalt  }
0x6e: {  	_ =	shalt  }
0x6f: {  	_ =	shalt  }
0x70: {  	_ =	shalt  }
0x71: {  	_ =	shalt  }
0x72: {  	_ =	shalt  }
0x73: {  	_ =	shalt  }
0x74: {  	_ =	shalt  }
0x75: {  	_ =	shalt  }
0x76: {  	_ =	shalt  }
0x77: {  	_ =	shalt  }
0x78: {  	_ =	shalt  }
0x79: {  	_ =	shalt  }
0x7a: {  	_ =	shalt  }
0x7b: {  	_ =	shalt  }
0x7c: {  	_ =	shalt  }
0x7d: {  	_ =	shalt  }
0x7e: {  	_ =	shalt  }
0x7f: {  	_ =	shalt  }
0x80: {  	_ =	shalt  }
0x81: {  	_ =	shalt  }
0x82: {  	_ =	shalt  }
0x83: {  	_ =	shalt  }
0x84: {  	_ =	shalt  }
0x85: {  	_ =	shalt  }
0x86: {  	_ =	shalt  }
0x87: {  	_ =	shalt  }
.Lfunc_end0:
.L_simem_size_0:
called_computation.1_lowered:
.L_overlay_start_0:
0x88: {  	s2 =	sld [smem:$0x3FD9]  }
0x89: {  	s3 =	sld [smem:$0x3FFE];
	_ =	sdelay $0x1  }
0x8a: {  	s1 =	srdreg.scid  }
0x8b: {  	s0 =	sand.u32 $0x1, s1  }
0x8c: {  	s17 =	sshll.u32 s0, $0xA;
	s2 =	sadd.s32 s3, s2  }
0x8d: {  	s2 =	sadd.s32 s2, s17  }
0x8e: {  	[smem:$0x3FC1] =	sst s2  }
0x8f: {  	_ = 	snop  }
0x90: {  	s2 =	sld [smem:$0x3FD0];
	(tm) =	ssettm $0x1  }
0x91: {  	s18 =	sld [smem:$0x3FFB];
	_ =	sdelay $0x3  }
0x92: {  	_ =	strace s18  }
0x93: {  	s3 =	sld [smem:$0x3FFC];
	_ =	sdelay $0x3  }
0x94: {  	_ =	strace s3  }
0x95: {  	s3 =	sld [smem:$0x3FFD];
	_ =	sdelay $0x3  }
0x96: {  	_ =	strace s3  }
0x97: {  	_ =	strace $0x8FFFFFFF  }
0x98: {  	s19 =	sld [smem:$0x3FDB];
	_ =	sdelay $0x1  }
0x99: {  	s4 =	simm.s32 $_scs_section_size  }
0x9a: {  	s5 =	simm.s32 $_size__tile_overlayer_lowered;
	s6 =	simm.s32 $_tile_overlayer_lowered  }
0x9b: {  	s22 =	simm.s32 $0x1BFF;
	s21 =	sshll.u32 s6, $0x1;
	s3 =	sadd.s32 s4, s19  }
0x9c: {  	s7 =	simm.s32 $0x0;
	s20 =	sshll.u32 s5, $0x1;
	s5 =	sadd.s32 s21, s3  }
0x9d: {  	[timem:s7], [sflag:s22] =	dma.local [hbm:s5], s20  }
0x9e: {  	_ =	swait.ge [sflag:s22], s20  }
0x9f: {  	s4 =	ssub.s32 $0x0, s20;
	[sflag:s22] =	ssyncset.done $0x0  }
0xa0: {  	[sflag:s22] =	ssyncadd.s32 s4;
	_ =	sdelay $0x1  }
0xa1: {  	s23 =	simm.s32 $0x1B8B  }
0xa2: {  	_ =	swait.ge [sflag:s23], $0x1  }
0xa3: {  	[sflag:s23] =	ssyncset.done $0x0  }
0xa4: {  	s25 =	simm.s32 $0x1B8E;
	s24 =	sld [smem:$0x3FFE];
	[sflag:s23] =	ssyncadd.s32 $0xFFFFFFFF  }
0xa5: {  	s26 =	simm.s32 $execute0_lowered;
	[smem:$0x3FD2] =	sst s25  }
0xa6: {  	s5 =	sshll.u32 s26, $0x1;
	_ =	strace $0x80000049;
	[dreg:$0x1] =	wrdreg $0xFFFFFFFF  }
0xa7: {  	s28 =	simm.s32 $_size_execute0_lowered;
	s3 =	sadd.s32 s3, s5;
	[dreg:$0x0] =	wrdreg $0x0  }
0xa8: {  	s5 =	sshll.u32 s28, $0x1;
	[dreg:$0x2] =	wrdreg s3  }
0xa9: {  	[dreg:$0x3] =	wrdreg s5  }
0xaa: {  	[dreg:$0x4] =	wrdreg $0xC0  }
0xab: {  	_ =	task [dreg:s7], $0x5FFFF  }
0xac: {  	[dreg:$0x1] =	wrdreg $0xFFFFFFFF  }
0xad: {  	[dreg:$0x0] =	wrdreg $0x60  }
0xae: {  	[dreg:$0x2] =	wrdreg s24  }
0xaf: {  	[dreg:$0x3] =	wrdreg s2  }
0xb0: {  	[dreg:$0x4] =	wrdreg $0xA0000  }
0xb1: {  	[dreg:$0x5] =	wrdreg $0x9  }
0xb2: {  	_ =	task.clear_ibuf [dreg:s7], $0x6FFFF;
	_ =	strace $0x90000049  }
0xb3: {  	s29 =	simm.s32 $0x9;
	_ =	strace $0x8000004B  }
0xb4: {  	_ =	swait.ge [sflag:s29], $0x1  }
0xb5: {  	[sflag:s29] =	ssyncadd.s32 $0xFFFFFFFF  }
0xb6: {  	_ =	strace $0x9000004B  }
0xb7: {  	_ =	sfence  }
0xb8: {  	s30 =	sld [smem:$0x0];
	_ =	sdelay $0x2  }
0xb9: {  	s31 =	sshll.u32 s1, $0xD;
	s1 =	sshrl.u32 s1, $0x2  }
0xba: {  	s3 =	sand.u32 $0x4000, s31;
	s1 =	sadd.s32 s1, s30  }
0xbb: {  	s0 =	sor.u32 s3, s0;
	s1 =	sshll.u32 s1, $0x11  }
0xbc: {  	s0 =	sor.u32 s1, s0  }
0xbd: {  	s0 =	sadd.s32 $0x8F2B, s0  }
0xbe: {  	[sflag:s0] =	ssyncadd.remote.s32 $0x1  }
0xbf: {  	_ =	sfence.sel $0xFFFF  }
0xc0: {  	[dreg:$0x0] =	wrdreg $0xFFFFFFFF;
	(pc) =	sbr.abs _section_cstart, $3  }
0xc1: {  	[dreg:$0x1] =	wrdreg $0xFFFFFFFF  }
0xc2: {  	_ =	task.clear_ibuf [dreg:s7], $0x2FFFF;
	_ =	strace $0x9FFFFFFF  }
0xc3: {  	(tm) =	ssettm $0x7FFFFFFF  }
tec
execute0_lowered:
.L_overlay_start_1:
0x0: {  	(tag) =	ssettag $0x1  }
0x1: {  	s5 =	rddreg [dreg:$0x0]  }
0x2: {  	s6 =	rddreg [dreg:$0x1]  }
0x3: {  	s1 =	rddreg [dreg:$0x2]  }
0x4: {  	s0 =	rddreg [dreg:$0x3]  }
0x5: {  	s3 =	simm.s32 $0x0;
	s2 =	stileid.u32;
	s7 =	srdreg.scid  }
0x6: {  	s18 =	simm.s32 $0x2;
	s19 =	simm.s32 $0x80;
	s20 =	simm.s32 $0x2000  }
0x7: {  	s21 =	simm.s32 $0x3;
	s22 =	simm.s32 $0x6000;
	s23 =	simm.s32 $0x0  }
0x8: {  	[smem:$0x7FF] =	sst s3;
	s4 =	sadd.s32 $0x10600, s5;
	s8 =	sshll.u32 s2, $0x9  }
0x9: {  	s7 =	sand.u32 $0x1, s7;
	s9 =	smul.u32 $0x50000, s2;
	s11 =	sadd.s32 $0x5E800, s5  }
0xa: {  	s14 =	smul.u32 $0x2800, s2;
	p0 =	seq.s32 s2, $0xF;
	_ =	strace $0x8000004A  }
0xb: {  	s10 =	sadd.s32 s8, s5;
	s12 =	smul.u32 $0x27100, s7;
	s26 =	ssub.s32 $0x2, s7  }
0xc: {  	s13 =	sshll.u32 s7, $0xD;
	s7 =	smul.u32 $0x138800, s7;
	s6 =	sadd.s32 s6, s8  }
0xd: {  	s15 =	sshrl.u32 s26, $0x1;
	s10 =	sadd.s32 s13, s10;
	s29 =	sshrl.u32 s9, $0x2  }
0xe: {  	s13 =	simm.s32 $0x1000;
	s28 =	ssub.s32 s26, s15;
	s5 =	sadd.s32 $0xC600, s10  }
0xf: {  	s30 =	sadd.s32 s14, s12;
	s31 =	sshrl.u32 s7, $0x3;
	s17 =	sadd.s32 s29, s1  }
0x10: {  	s15 =	sadd.s32 $0x12C000, s1;
	s12 =	simm.s32 $0x4;
	s14 =	sshll.u32 @!p0 s2, $0x6  }
0x11: {  	s7 =	sadd.s32 s4, s30;
	s10 =	sadd.s32 $0x25800, s31;
	s9 =	sadd.s32 s11, s30  }
0x12: {  	s15 =	sshrl.u32 @p0 s15, $0x3;
	s16 =	sor.u32 @!p0 $0x1C01, s14;
	s17 =	sshrl.u32 @!p0 s17, $0x3  }
0x13: {  	s8 =	sadd.s32 s4, s10;
	s10 =	sadd.s32 s11, s10;
	s11 =	smax.u32 s28, $0x1  }
.LBB2_1:
0x14: {  	[tilespmem:s3], [sflag:$0x4] =	stream.linear.gather [hbm4b:s5+s3], $0x1000, $0x38;
	[tilespmem:$0x1D880] =	vst v63  }
0x15: {  	_ =	swait.ge [sflag:s12], $0x1000  }
0x16: {  	[sflag:s12] =	ssyncset.done $0x0  }
0x17: {  	[sflag:s12] =	ssyncadd.s32 $0xFFFFF000  }
0x18: {  	[tilespmem:s13], [sflag:$0x4] =	stream.linear.gather [hbm4b:s6+s3], $0x1000, $0x38;
	[tilespmem:$0x1D880] =	vst v63  }
0x19: {  	_ =	swait.ge [sflag:s12], $0x1000  }
0x1a: {  	[sflag:s12] =	ssyncset.done $0x0  }
0x1b: {  	s24 =	simm.s32 @p0 $0x1FC1;
	[sflag:s12] =	ssyncadd.s32 $0xFFFFF000  }
0x1c: {  	[spmem:s15], [sflag:s24] =	dma.local @p0 [hbm:s8], $0x1900  }
0x1d: {  	s25 =	simm.s32 @p0 $0x0;
	s26 =	simm.s32 @p0 $0x2000;
	s24 =	simm.s32 @p0 $0x80  }
0x1e: {  	[tilespmem:s26], [sflag:$0x2] =	stream.indirect.gather @p0 [hbm4b:s4+s24], $0x80, s25, s24, $0xb8;
	[tilespmem:$0x1D880] =	vst v63  }
0x1f: {  	s25 =	simm.s32 @p0 $0x6000  }
0x20: {  	[tilespmem:s25], [sflag:$0x3] =	stream.indirect.gather @p0 [hbm4b:s4+s24], $0x80, s24, s24, $0xb8;
	[tilespmem:$0x1D880] =	vst v63  }
0x21: {  	s24 =	simm.s32 @p0 $0x1  }
0x22: {  	_ =	swait.ge @p0 [sflag:s24], $0x1900  }
0x23: {  	s26 =	simm.s32 @!p0 $0x2000;
	[sflag:s24] =	ssyncset.done @p0 $0x0  }
0x24: {  	s25 =	simm.s32 @!p0 $0x0;
	[sflag:s24] =	ssyncadd.s32 @p0 $0xFFFFE700;
	s24 =	simm.s32 @!p0 $0x80  }
0x25: {  	[spmem:s17], [sflag:s16] =	dma.local @!p0 [hbm:s7], $0x2800  }
0x26: {  	[tilespmem:s26], [sflag:$0x2] =	stream.indirect.gather @!p0 [hbm4b:s4+s24], $0x80, s25, s24, $0xb8;
	[tilespmem:$0x1D880] =	vst v63  }
0x27: {  	s25 =	simm.s32 @!p0 $0x6000  }
0x28: {  	[tilespmem:s25], [sflag:$0x3] =	stream.indirect.gather @!p0 [hbm4b:s4+s24], $0x80, s24, s24, $0xb8;
	[tilespmem:$0x1D880] =	vst v63  }
0x29: {  	s24 =	simm.s32 @!p0 $0x1  }
0x2a: {  	_ =	swait.ge @!p0 [sflag:s24], $0x2800  }
0x2b: {  	[sflag:s24] =	ssyncset.done @!p0 $0x0  }
0x2c: {  	[sflag:s24] =	ssyncadd.s32 @!p0 $0xFFFFD800  }
0x2d: {  	[bflag:$0x0] =	sbarrier.arrive $0xFFFF  }
0x2e: {  	_ =	swait.ge [sflag:s18], $0x4000  }
0x2f: {  	[sflag:s18] =	ssyncset.done $0x0  }
0x30: {  	s28 =	simm.s32 $0x1000;
	[sflag:s18] =	ssyncadd.s32 $0xFFFFC000  }
0x31: {  	[spmem:s1] =	stream.indirect.scatter.add.f32 [tilespmem:s20], [sflag:$0x4], $0x80, s28, s19, $0xb8;
	[tilespmem:$0x1D880] =	vst v63  }
0x32: {  	s24 =	simm.s32 $0x400;
	_ =	swait.ge [sflag:s12], $0x4000  }
0x33: {  	s29 =	sand.u32 $0x3C00, s24;
	[sflag:s12] =	ssyncset.done $0x0  }
0x34: {  	s25 =	sshrl.u32 s29, $0x2;
	[sflag:s12] =	ssyncadd.s32 $0xFFFFC000  }
0x35: {  	[tilespmem:s20], [sflag:$0x2] =	stream.indirect.gather [hbm4b:s4+s19], $0x80, s25, s19, $0xb8;
	[tilespmem:$0x1D880] =	vst v63  }
0x36: {  	_ =	swait.ge [sflag:s21], $0x4000  }
0x37: {  	[sflag:s21] =	ssyncset.done $0x0  }
0x38: {  	s30 =	simm.s32 $0x1080;
	[sflag:s21] =	ssyncadd.s32 $0xFFFFC000  }
0x39: {  	[spmem:s1] =	stream.indirect.scatter.add.f32 [tilespmem:s22], [sflag:$0x4], $0x80, s30, s19, $0xb8;
	[tilespmem:$0x1D880] =	vst v63  }
0x3a: {  	s31 =	simm.s32 $0x600;
	_ =	swait.ge [sflag:s12], $0x4000  }
0x3b: {  	s25 =	sand.u32 $0x3E00, s31;
	[sflag:s12] =	ssyncset.done $0x0  }
0x3c: {  	s25 =	sshrl.u32 s25, $0x2;
	[sflag:s12] =	ssyncadd.s32 $0xFFFFC000  }
.LBB2_2:
0x3d: {  	[tilespmem:s22], [sflag:$0x3] =	stream.indirect.gather [hbm4b:s4+s19], $0x80, s25, s19, $0xb8;
	[tilespmem:$0x1D880] =	vst v63  }
0x3e: {  	s25 =	smov.u32 s24  }
0x3f: {  	p1 =	sne.s32 s24, $0x3C00;
	s24 =	sadd.s32 $0x400, s24;
	_ =	swait.ge [sflag:s18], $0x4000  }
0x40: {  	s26 =	sshra.s32 s25, $0x2;
	s28 =	sand.u32 $0x3C00, s24;
	[sflag:s18] =	ssyncset.done $0x0  }
0x41: {  	s29 =	sadd.s32 $0x1000, s26;
	[sflag:s18] =	ssyncadd.s32 $0xFFFFC000  }
0x42: {  	[spmem:s1] =	stream.indirect.scatter.add.f32 [tilespmem:s20], [sflag:$0x4], $0x80, s29, s19, $0xb8;
	[tilespmem:$0x1D880] =	vst v63  }
0x43: {  	_ =	swait.ge [sflag:s12], $0x4000  }
0x44: {  	[sflag:s12] =	ssyncset.done $0x0  }
0x45: {  	s28 =	sshrl.u32 s28, $0x2;
	[sflag:s12] =	ssyncadd.s32 $0xFFFFC000  }
0x46: {  	[tilespmem:s20], [sflag:$0x2] =	stream.indirect.gather [hbm4b:s4+s19], $0x80, s28, s19, $0xb8;
	[tilespmem:$0x1D880] =	vst v63  }
0x47: {  	_ =	swait.ge [sflag:s21], $0x4000  }
0x48: {  	[sflag:s21] =	ssyncset.done $0x0  }
.Ltmp0:
0x49: {  	s26 =	sadd.s32 $0x1080, s26;
	[sflag:s21] =	ssyncadd.s32 $0xFFFFC000;
	(pc) =	sbr.rel @p1 .LBB2_2-.Ltmp0, $4  }
0x4a: {  	[spmem:s1] =	stream.indirect.scatter.add.f32 [tilespmem:s22], [sflag:$0x4], $0x80, s26, s19, $0xb8;
	[tilespmem:$0x1D880] =	vst v63  }
0x4b: {  	s25 =	sadd.s32 $0x600, s25;
	_ =	swait.ge [sflag:s12], $0x4000  }
0x4c: {  	s25 =	sand.u32 $0x3E00, s25;
	[sflag:s12] =	ssyncset.done $0x0  }
0x4d: {  	s25 =	sshrl.u32 s25, $0x2;
	[sflag:s12] =	ssyncadd.s32 $0xFFFFC000  }
0x4e: {  	[tilespmem:s22], [sflag:$0x3] =	stream.indirect.gather [hbm4b:s4+s19], $0x80, s25, s19, $0xb8;
	[tilespmem:$0x1D880] =	vst v63  }
0x4f: {  	_ =	swait.ge [sflag:s18], $0x4000  }
0x50: {  	[sflag:s18] =	ssyncset.done $0x0  }
0x51: {  	[sflag:s18] =	ssyncadd.s32 $0xFFFFC000  }
0x52: {  	_ =	swait.ge [sflag:s21], $0x4000  }
0x53: {  	[sflag:s21] =	ssyncset.done $0x0  }
0x54: {  	[sflag:s21] =	ssyncadd.s32 $0xFFFFC000  }
0x55: {  	s24 =	simm.s32 @p0 $0x1FC4;
	[bflag:$0x0] =	sbarrier.arrive $0xFFFF  }
0x56: {  	[hbm:s10], [sflag:s24] =	dma.local @p0 [spmem:s15], $0x1900  }
0x57: {  	s24 =	simm.s32 @p0 $0x4  }
0x58: {  	_ =	swait.ge @p0 [sflag:s24], $0x1900  }
0x59: {  	s23 =	sadd.s32 $0x1, s23;
	[sflag:s24] =	ssyncset.done @p0 $0x0  }
0x5a: {  	p1 =	sne.s32 s23, s11;
	[sflag:s24] =	ssyncadd.s32 @p0 $0xFFFFE700;
	s24 =	sor.u32 @!p0 $0x1C04, s14  }
0x5b: {  	[hbm:s9], [sflag:s24] =	dma.local @!p0 [spmem:s17], $0x2800  }
.Ltmp1:
0x5c: {  	_ = 	snop;
	(pc) =	sbr.rel @p1 .LBB2_1-.Ltmp1, $4  }
0x5d: {  	s24 =	simm.s32 @!p0 $0x4  }
0x5e: {  	_ =	swait.ge @!p0 [sflag:s24], $0x2800  }
0x5f: {  	[sflag:s24] =	ssyncset.done @!p0 $0x0  }
0x60: {  	[sflag:s24] =	ssyncadd.s32 @!p0 $0xFFFFD800  }
0x61: {  	_ =	sfence.sel $0x180000  }
0x62: {  	[bflag:$0x0] =	sbarrier.arrive $0xFFFF  }
0x63: {  	p0 =	sne.s32 s2, $0x0;
	_ =	strace $0x9000004A  }
0x64: {  	s0 =	sadd.s32 @!p0 $0x100000, s0;
	[bflag:$0x2] =	sbarrier.arrive $0xFFFF  }
0x65: {  	[sflag:s0] =	ssyncadd.tile.s32 @!p0 $0x1;
	_ =	shalt  }
.Lfunc_end2:
_tile_overlayer_lowered:
.L_overlay_start_2:
0x66: {  	(tag) =	ssettag $0x2  }
0x67: {  	s0 =	rddreg [dreg:$0x0];
	s2 =	stileid.u32  }
0x68: {  	s1 =	rddreg [dreg:$0x1];
	p0 =	sne.s32 s2, $0x0  }
0x69: {  	s3 =	rddreg [dreg:$0x2];
	[bflag:$0x3] =	sbarrier.arrive $0xFFFF;
	s2 =	simm.s32 @!p0 $0x1C04  }
0x6a: {  	[timem:s3], [sflag:s2] =	dma.local @!p0 [hbm:s0], s1  }
0x6b: {  	s0 =	simm.s32 @!p0 $0x4  }
0x6c: {  	_ =	swait.ge @!p0 [sflag:s0], s1  }
0x6d: {  	s1 =	ssub.s32 @!p0 $0x0, s1;
	[sflag:s0] =	ssyncset.done @!p0 $0x0  }
0x6e: {  	[sflag:s0] =	ssyncadd.s32 @!p0 s1  }
0x6f: {  	[bflag:$0x3] =	sbarrier.arrive $0xFFFF  }
0x70: {  	_ =	shalt  }

// kernel: kernel.14.cloned.1.call-start
scs
__scs_entry_jumppad:
0x0: {  	(pc) =	sbr.rel $0x88, $3  }
0x1: {  	(tag) =	ssettag $0x0;
	lr =	simm.s32 $0x1  }
0x2: {  	[smem:$0x3F9A] =	sst lr;
	_ =	strace $0xD0000000  }
0x3: {  	_ = 	snop  }
0x4: {  	_ = 	snop  }
0x5: {  	_ = 	snop  }
0x6: {  	_ = 	snop  }
0x7: {  	_ = 	snop  }
__scs_overlays_trampoline_lowered:
0x8: {  	[smem:$0x3FA9] =	sst s0  }
0x9: {  	[smem:$0x3FAA] =	sst s1  }
0xa: {  	[smem:$0x3FAB] =	sst s2  }
0xb: {  	[smem:$0x3FAC] =	sst s3  }
0xc: {  	[smem:$0x3FAD] =	sst s4  }
0xd: {  	[smem:$0x3FAE] =	sst s5  }
0xe: {  	[smem:$0x3FAF] =	sst s6  }
0xf: {  	[smem:$0x3FB0] =	sst s7  }
0x10: {  	[smem:$0x3FB1] =	sst s8  }
0x11: {  	[smem:$0x3FB2] =	sst s9;
	s0 =	simm.s32 @!p0 $0x0  }
0x12: {  	s1 =	sld [smem:$0x3F98];
	s0 =	simm.s32 @p0 $0x1  }
0x13: {  	[smem:$0x3FB3] =	sst s0;
	s0 =	simm.s32 @!p1 $0x0  }
0x14: {  	s2 =	sld [smem:$0x3F97];
	s0 =	simm.s32 @p1 $0x1  }
0x15: {  	[smem:$0x3FB4] =	sst s0;
	s0 =	simm.s32 @!p2 $0x0  }
0x16: {  	s3 =	sld [smem:$0x3FDB];
	s0 =	simm.s32 @p2 $0x1  }
0x17: {  	s4 =	simm.s32 $0x1BF5;
	[smem:$0x3FB6] =	sst s0  }
0x18: {  	s0 =	sld [smem:$0x3F99];
	_ =	swait.ge [sflag:s4], $0x0  }
0x19: {  	s7 =	sld [smem:$0x3F9A]  }
0x1a: {  	s8 =	sadd.s32 $0xFFFFE003, lr  }
0x1b: {  	s9 =	sadd.s32 $0xFFFFFEF7, lr;
	s5 =	simm.s32 $0xFFFFFFFF;
	p2 =	slt.u32 s8, $0xFFFFF086  }
0x1c: {  	p1 =	slt.u32 s9, $0xF7A;
	s5 =	simm.s32 @!p2 $0x0  }
0x1d: {  	s5 =	simm.s32 @p1 $0x1;
	p0 =	seq.s32 s7, s2  }
0x1e: {  	s7 =	smul.u32 @!p0 $0xF7A, s2;
	p2 =	seq.s32 @!p0 s5, $0x0  }
0x1f: {  	s9 =	smul.u32 $0xF7A, s1;
	s8 =	simm.s32 @!p0 $0x1BF5;
	p2 =	por !p2, p0  }
0x20: {  	[sflag:s8] =	ssyncset.s32 @!p0 $0xFFFFF086;
	s6 =	sadd.s32 @!p0 s3, s7;
	s7 =	simm.s32 @!p0 $0x108  }
0x21: {  	s3 =	sadd.s32 s3, s9;
	s6 =	sadd.s32 @!p0 $0x88, s6;
	s7 =	simm.s32 @p2 $0x1082  }
0x22: {  	[simem:s7], [sflag:s8] =	dma.local @!p0 [hbm:s6], $0xF7A  }
0x23: {  	s9 =	sor.u32 $0xD0000000, s2;
	s6 =	simm.s32 $0x108;
	_ =	swait.ge @!p0 [sflag:s8], $0x0  }
0x24: {  	s3 =	sadd.s32 $0x88, s3;
	s6 =	simm.s32 @!p1 $0x1082;
	[sflag:s4] =	ssyncset.s32 $0xFFFFF086  }
0x25: {  	[simem:s6], [sflag:s4] =	dma.local [hbm:s3], $0xF7A  }
0x26: {  	[smem:$0x3F9A] =	sst s1;
	(tag) =	ssettag s2;
	_ =	strace s9  }
0x27: {  	s1 =	sld [smem:$0x3FAA]  }
0x28: {  	s2 =	sld [smem:$0x3FAB]  }
0x29: {  	s4 =	sld [smem:$0x3FAD]  }
0x2a: {  	p0 =	seq.s32 s5, $0x0;
	s5 =	sld [smem:$0x3FAE]  }
0x2b: {  	s6 =	sld [smem:$0x3FAF]  }
0x2c: {  	s7 =	sld [smem:$0x3FB0]  }
0x2d: {  	s3 =	simm.s32 $0x108;
	s8 =	sld [smem:$0x3FB1]  }
0x2e: {  	s3 =	simm.s32 @!p0 $0x1082;
	s9 =	sld [smem:$0x3FB2]  }
0x2f: {  	lr =	sadd.s32 s0, s3;
	s0 =	sld [smem:$0x3FA9]  }
0x30: {  	s3 =	sld [smem:$0x3FAC]  }
0x31: {  	[smem:$0x3FB5] =	sst s10  }
0x32: {  	s10 =	sld [smem:$0x3FB3];
	_ =	sdelay $0x3  }
0x33: {  	p0 =	seq.s32 s10, $0x1;
	s10 =	sld [smem:$0x3FB5];
	_ =	sdelay $0x3  }
0x34: {  	[smem:$0x3FB5] =	sst s10  }
0x35: {  	s10 =	sld [smem:$0x3FB4];
	_ =	sdelay $0x3  }
0x36: {  	p1 =	seq.s32 s10, $0x1;
	s10 =	sld [smem:$0x3FB5];
	_ =	sdelay $0x3  }
0x37: {  	[smem:$0x3FB5] =	sst s10  }
0x38: {  	s10 =	sld [smem:$0x3FB6]  }
0x39: {  	_ = 	snop;
	(pc) =	sbr.ind lr, $3  }
0x3a: {  	_ = 	snop  }
0x3b: {  	_ = 	snop  }
0x3c: {  	p2 =	seq.s32 s10, $0x1;
	s10 =	sld [smem:$0x3FB5]  }
0x3d: {  	_ =	shalt  }
0x3e: {  	_ =	shalt  }
0x3f: {  	_ =	shalt  }
0x40: {  	_ =	shalt  }
0x41: {  	_ =	shalt  }
0x42: {  	_ =	shalt  }
0x43: {  	_ =	shalt  }
0x44: {  	_ =	shalt  }
0x45: {  	_ =	shalt  }
0x46: {  	_ =	shalt  }
0x47: {  	_ =	shalt  }
0x48: {  	_ =	shalt  }
0x49: {  	_ =	shalt  }
0x4a: {  	_ =	shalt  }
0x4b: {  	_ =	shalt  }
0x4c: {  	_ =	shalt  }
0x4d: {  	_ =	shalt  }
0x4e: {  	_ =	shalt  }
0x4f: {  	_ =	shalt  }
0x50: {  	_ =	shalt  }
0x51: {  	_ =	shalt  }
0x52: {  	_ =	shalt  }
0x53: {  	_ =	shalt  }
0x54: {  	_ =	shalt  }
0x55: {  	_ =	shalt  }
0x56: {  	_ =	shalt  }
0x57: {  	_ =	shalt  }
0x58: {  	_ =	shalt  }
0x59: {  	_ =	shalt  }
0x5a: {  	_ =	shalt  }
0x5b: {  	_ =	shalt  }
0x5c: {  	_ =	shalt  }
0x5d: {  	_ =	shalt  }
0x5e: {  	_ =	shalt  }
0x5f: {  	_ =	shalt  }
0x60: {  	_ =	shalt  }
0x61: {  	_ =	shalt  }
0x62: {  	_ =	shalt  }
0x63: {  	_ =	shalt  }
0x64: {  	_ =	shalt  }
0x65: {  	_ =	shalt  }
0x66: {  	_ =	shalt  }
0x67: {  	_ =	shalt  }
0x68: {  	_ =	shalt  }
0x69: {  	_ =	shalt  }
0x6a: {  	_ =	shalt  }
0x6b: {  	_ =	shalt  }
0x6c: {  	_ =	shalt  }
0x6d: {  	_ =	shalt  }
0x6e: {  	_ =	shalt  }
0x6f: {  	_ =	shalt  }
0x70: {  	_ =	shalt  }
0x71: {  	_ =	shalt  }
0x72: {  	_ =	shalt  }
0x73: {  	_ =	shalt  }
0x74: {  	_ =	shalt  }
0x75: {  	_ =	shalt  }
0x76: {  	_ =	shalt  }
0x77: {  	_ =	shalt  }
0x78: {  	_ =	shalt  }
0x79: {  	_ =	shalt  }
0x7a: {  	_ =	shalt  }
0x7b: {  	_ =	shalt  }
0x7c: {  	_ =	shalt  }
0x7d: {  	_ =	shalt  }
0x7e: {  	_ =	shalt  }
0x7f: {  	_ =	shalt  }
0x80: {  	_ =	shalt  }
0x81: {  	_ =	shalt  }
0x82: {  	_ =	shalt  }
0x83: {  	_ =	shalt  }
0x84: {  	_ =	shalt  }
0x85: {  	_ =	shalt  }
0x86: {  	_ =	shalt  }
0x87: {  	_ =	shalt  }
.Lfunc_end0:
.L_simem_size_0:
called_computation.2_lowered:
.L_overlay_start_0:
0x88: {  	s2 =	sld [smem:$0x3FD9]  }
0x89: {  	s3 =	sld [smem:$0x3FFE];
	_ =	sdelay $0x1  }
0x8a: {  	s1 =	srdreg.scid  }
0x8b: {  	s0 =	sand.u32 $0x1, s1  }
0x8c: {  	s17 =	sshll.u32 s0, $0xA;
	s2 =	sadd.s32 s3, s2  }
0x8d: {  	s2 =	sadd.s32 s2, s17  }
0x8e: {  	[smem:$0x3FC1] =	sst s2  }
0x8f: {  	_ = 	snop  }
0x90: {  	s2 =	sld [smem:$0x3FD0];
	(tm) =	ssettm $0x1  }
0x91: {  	s18 =	sld [smem:$0x3FFB];
	_ =	sdelay $0x3  }
0x92: {  	_ =	strace s18  }
0x93: {  	s3 =	sld [smem:$0x3FFC];
	_ =	sdelay $0x3  }
0x94: {  	_ =	strace s3  }
0x95: {  	s3 =	sld [smem:$0x3FFD];
	_ =	sdelay $0x3  }
0x96: {  	_ =	strace s3  }
0x97: {  	_ =	strace $0x8FFFFFFF  }
0x98: {  	s19 =	sld [smem:$0x3FDB];
	_ =	sdelay $0x1  }
0x99: {  	s4 =	simm.s32 $_scs_section_size  }
0x9a: {  	s5 =	simm.s32 $_size__tile_overlayer_lowered;
	s6 =	simm.s32 $_tile_overlayer_lowered  }
0x9b: {  	s22 =	simm.s32 $0x1BFF;
	s21 =	sshll.u32 s6, $0x1;
	s3 =	sadd.s32 s4, s19  }
0x9c: {  	s7 =	simm.s32 $0x0;
	s20 =	sshll.u32 s5, $0x1;
	s5 =	sadd.s32 s21, s3  }
0x9d: {  	[timem:s7], [sflag:s22] =	dma.local [hbm:s5], s20  }
0x9e: {  	_ =	swait.ge [sflag:s22], s20  }
0x9f: {  	s4 =	ssub.s32 $0x0, s20;
	[sflag:s22] =	ssyncset.done $0x0  }
0xa0: {  	[sflag:s22] =	ssyncadd.s32 s4;
	_ =	sdelay $0x1  }
0xa1: {  	s23 =	simm.s32 $0x1B8B  }
0xa2: {  	_ =	swait.ge [sflag:s23], $0x1  }
0xa3: {  	[sflag:s23] =	ssyncset.done $0x0  }
0xa4: {  	s25 =	simm.s32 $0x1B8E;
	s24 =	sld [smem:$0x3FFE];
	[sflag:s23] =	ssyncadd.s32 $0xFFFFFFFF  }
0xa5: {  	s26 =	simm.s32 $execute0_lowered;
	[smem:$0x3FD2] =	sst s25  }
0xa6: {  	s5 =	sshll.u32 s26, $0x1;
	_ =	strace $0x8000004C;
	[dreg:$0x1] =	wrdreg $0xFFFFFFFF  }
0xa7: {  	s28 =	simm.s32 $_size_execute0_lowered;
	s3 =	sadd.s32 s3, s5;
	[dreg:$0x0] =	wrdreg $0x0  }
0xa8: {  	s5 =	sshll.u32 s28, $0x1;
	[dreg:$0x2] =	wrdreg s3  }
0xa9: {  	[dreg:$0x3] =	wrdreg s5  }
0xaa: {  	[dreg:$0x4] =	wrdreg $0xC0  }
0xab: {  	_ =	task [dreg:s7], $0x5FFFF  }
0xac: {  	[dreg:$0x1] =	wrdreg $0xFFFFFFFF  }
0xad: {  	[dreg:$0x0] =	wrdreg $0x60  }
0xae: {  	[dreg:$0x2] =	wrdreg s24  }
0xaf: {  	[dreg:$0x3] =	wrdreg s2  }
0xb0: {  	[dreg:$0x4] =	wrdreg $0xA0000  }
0xb1: {  	[dreg:$0x5] =	wrdreg $0x9  }
0xb2: {  	_ =	task.clear_ibuf [dreg:s7], $0x6FFFF;
	_ =	strace $0x9000004C  }
0xb3: {  	s29 =	simm.s32 $0x9;
	_ =	strace $0x8000004E  }
0xb4: {  	_ =	swait.ge [sflag:s29], $0x1  }
0xb5: {  	[sflag:s29] =	ssyncadd.s32 $0xFFFFFFFF  }
0xb6: {  	_ =	strace $0x9000004E  }
0xb7: {  	_ =	sfence  }
0xb8: {  	s30 =	sld [smem:$0x0];
	_ =	sdelay $0x2  }
0xb9: {  	s31 =	sshll.u32 s1, $0xD;
	s1 =	sshrl.u32 s1, $0x2  }
0xba: {  	s3 =	sand.u32 $0x4000, s31;
	s1 =	sadd.s32 s1, s30  }
0xbb: {  	s0 =	sor.u32 s3, s0;
	s1 =	sshll.u32 s1, $0x11  }
0xbc: {  	s0 =	sor.u32 s1, s0  }
0xbd: {  	s0 =	sadd.s32 $0x8F2B, s0  }
0xbe: {  	[sflag:s0] =	ssyncadd.remote.s32 $0x1  }
0xbf: {  	_ =	sfence.sel $0xFFFF  }
0xc0: {  	[dreg:$0x0] =	wrdreg $0xFFFFFFFF;
	(pc) =	sbr.abs _section_cstart, $3  }
0xc1: {  	[dreg:$0x1] =	wrdreg $0xFFFFFFFF  }
0xc2: {  	_ =	task.clear_ibuf [dreg:s7], $0x2FFFF;
	_ =	strace $0x9FFFFFFF  }
0xc3: {  	(tm) =	ssettm $0x7FFFFFFF  }
tec
execute0_lowered:
.L_overlay_start_1:
0x0: {  	(tag) =	ssettag $0x1  }
0x1: {  	s5 =	rddreg [dreg:$0x0]  }
0x2: {  	s6 =	rddreg [dreg:$0x1]  }
0x3: {  	s1 =	rddreg [dreg:$0x2]  }
0x4: {  	s0 =	rddreg [dreg:$0x3]  }
0x5: {  	s3 =	simm.s32 $0x0;
	s2 =	stileid.u32;
	s7 =	srdreg.scid  }
0x6: {  	s18 =	simm.s32 $0x2;
	s19 =	simm.s32 $0x80;
	s20 =	simm.s32 $0x2000  }
0x7: {  	s21 =	simm.s32 $0x3;
	s22 =	simm.s32 $0x6000;
	s23 =	simm.s32 $0x0  }
0x8: {  	[smem:$0x7FF] =	sst s3;
	s4 =	sadd.s32 $0x10600, s5;
	s8 =	sshll.u32 s2, $0x9  }
0x9: {  	s7 =	sand.u32 $0x1, s7;
	s9 =	smul.u32 $0x50000, s2;
	s11 =	sadd.s32 $0x5E800, s5  }
0xa: {  	s14 =	smul.u32 $0x2800, s2;
	p0 =	seq.s32 s2, $0xF;
	_ =	strace $0x8000004D  }
0xb: {  	s10 =	sadd.s32 s8, s5;
	s12 =	smul.u32 $0x27100, s7;
	s26 =	ssub.s32 $0x2, s7  }
0xc: {  	s13 =	sshll.u32 s7, $0xD;
	s7 =	smul.u32 $0x138800, s7;
	s6 =	sadd.s32 s6, s8  }
0xd: {  	s15 =	sshrl.u32 s26, $0x1;
	s10 =	sadd.s32 s13, s10;
	s29 =	sshrl.u32 s9, $0x2  }
0xe: {  	s13 =	simm.s32 $0x1000;
	s28 =	ssub.s32 s26, s15;
	s5 =	sadd.s32 $0xC600, s10  }
0xf: {  	s30 =	sadd.s32 s14, s12;
	s31 =	sshrl.u32 s7, $0x3;
	s17 =	sadd.s32 s29, s1  }
0x10: {  	s15 =	sadd.s32 $0x12C000, s1;
	s12 =	simm.s32 $0x4;
	s14 =	sshll.u32 @!p0 s2, $0x6  }
0x11: {  	s7 =	sadd.s32 s4, s30;
	s10 =	sadd.s32 $0x25800, s31;
	s9 =	sadd.s32 s11, s30  }
0x12: {  	s15 =	sshrl.u32 @p0 s15, $0x3;
	s16 =	sor.u32 @!p0 $0x1C01, s14;
	s17 =	sshrl.u32 @!p0 s17, $0x3  }
0x13: {  	s8 =	sadd.s32 s4, s10;
	s10 =	sadd.s32 s11, s10;
	s11 =	smax.u32 s28, $0x1  }
.LBB2_1:
0x14: {  	[tilespmem:s3], [sflag:$0x4] =	stream.linear.gather [hbm4b:s5+s3], $0x1000, $0x38;
	[tilespmem:$0x1D880] =	vst v63  }
0x15: {  	_ =	swait.ge [sflag:s12], $0x1000  }
0x16: {  	[sflag:s12] =	ssyncset.done $0x0  }
0x17: {  	[sflag:s12] =	ssyncadd.s32 $0xFFFFF000  }
0x18: {  	[tilespmem:s13], [sflag:$0x4] =	stream.linear.gather [hbm4b:s6+s3], $0x1000, $0x38;
	[tilespmem:$0x1D880] =	vst v63  }
0x19: {  	_ =	swait.ge [sflag:s12], $0x1000  }
0x1a: {  	[sflag:s12] =	ssyncset.done $0x0  }
0x1b: {  	s24 =	simm.s32 @p0 $0x1FC1;
	[sflag:s12] =	ssyncadd.s32 $0xFFFFF000  }
0x1c: {  	[spmem:s15], [sflag:s24] =	dma.local @p0 [hbm:s8], $0x1900  }
0x1d: {  	s25 =	simm.s32 @p0 $0x0;
	s26 =	simm.s32 @p0 $0x2000;
	s24 =	simm.s32 @p0 $0x80  }
0x1e: {  	[tilespmem:s26], [sflag:$0x2] =	stream.indirect.gather @p0 [hbm4b:s4+s24], $0x80, s25, s24, $0xb8;
	[tilespmem:$0x1D880] =	vst v63  }
0x1f: {  	s25 =	simm.s32 @p0 $0x6000  }
0x20: {  	[tilespmem:s25], [sflag:$0x3] =	stream.indirect.gather @p0 [hbm4b:s4+s24], $0x80, s24, s24, $0xb8;
	[tilespmem:$0x1D880] =	vst v63  }
0x21: {  	s24 =	simm.s32 @p0 $0x1  }
0x22: {  	_ =	swait.ge @p0 [sflag:s24], $0x1900  }
0x23: {  	s26 =	simm.s32 @!p0 $0x2000;
	[sflag:s24] =	ssyncset.done @p0 $0x0  }
0x24: {  	s25 =	simm.s32 @!p0 $0x0;
	[sflag:s24] =	ssyncadd.s32 @p0 $0xFFFFE700;
	s24 =	simm.s32 @!p0 $0x80  }
0x25: {  	[spmem:s17], [sflag:s16] =	dma.local @!p0 [hbm:s7], $0x2800  }
0x26: {  	[tilespmem:s26], [sflag:$0x2] =	stream.indirect.gather @!p0 [hbm4b:s4+s24], $0x80, s25, s24, $0xb8;
	[tilespmem:$0x1D880] =	vst v63  }
0x27: {  	s25 =	simm.s32 @!p0 $0x6000  }
0x28: {  	[tilespmem:s25], [sflag:$0x3] =	stream.indirect.gather @!p0 [hbm4b:s4+s24], $0x80, s24, s24, $0xb8;
	[tilespmem:$0x1D880] =	vst v63  }
0x29: {  	s24 =	simm.s32 @!p0 $0x1  }
0x2a: {  	_ =	swait.ge @!p0 [sflag:s24], $0x2800  }
0x2b: {  	[sflag:s24] =	ssyncset.done @!p0 $0x0  }
0x2c: {  	[sflag:s24] =	ssyncadd.s32 @!p0 $0xFFFFD800  }
0x2d: {  	[bflag:$0x0] =	sbarrier.arrive $0xFFFF  }
0x2e: {  	_ =	swait.ge [sflag:s18], $0x4000  }
0x2f: {  	[sflag:s18] =	ssyncset.done $0x0  }
0x30: {  	s28 =	simm.s32 $0x1000;
	[sflag:s18] =	ssyncadd.s32 $0xFFFFC000  }
0x31: {  	[spmem:s1] =	stream.indirect.scatter.add.f32 [tilespmem:s20], [sflag:$0x4], $0x80, s28, s19, $0xb8;
	[tilespmem:$0x1D880] =	vst v63  }
0x32: {  	s24 =	simm.s32 $0x400;
	_ =	swait.ge [sflag:s12], $0x4000  }
0x33: {  	s29 =	sand.u32 $0x3C00, s24;
	[sflag:s12] =	ssyncset.done $0x0  }
0x34: {  	s25 =	sshrl.u32 s29, $0x2;
	[sflag:s12] =	ssyncadd.s32 $0xFFFFC000  }
0x35: {  	[tilespmem:s20], [sflag:$0x2] =	stream.indirect.gather [hbm4b:s4+s19], $0x80, s25, s19, $0xb8;
	[tilespmem:$0x1D880] =	vst v63  }
0x36: {  	_ =	swait.ge [sflag:s21], $0x4000  }
0x37: {  	[sflag:s21] =	ssyncset.done $0x0  }
0x38: {  	s30 =	simm.s32 $0x1080;
	[sflag:s21] =	ssyncadd.s32 $0xFFFFC000  }
0x39: {  	[spmem:s1] =	stream.indirect.scatter.add.f32 [tilespmem:s22], [sflag:$0x4], $0x80, s30, s19, $0xb8;
	[tilespmem:$0x1D880] =	vst v63  }
0x3a: {  	s31 =	simm.s32 $0x600;
	_ =	swait.ge [sflag:s12], $0x4000  }
0x3b: {  	s25 =	sand.u32 $0x3E00, s31;
	[sflag:s12] =	ssyncset.done $0x0  }
0x3c: {  	s25 =	sshrl.u32 s25, $0x2;
	[sflag:s12] =	ssyncadd.s32 $0xFFFFC000  }
.LBB2_2:
0x3d: {  	[tilespmem:s22], [sflag:$0x3] =	stream.indirect.gather [hbm4b:s4+s19], $0x80, s25, s19, $0xb8;
	[tilespmem:$0x1D880] =	vst v63  }
0x3e: {  	s25 =	smov.u32 s24  }
0x3f: {  	p1 =	sne.s32 s24, $0x3C00;
	s24 =	sadd.s32 $0x400, s24;
	_ =	swait.ge [sflag:s18], $0x4000  }
0x40: {  	s26 =	sshra.s32 s25, $0x2;
	s28 =	sand.u32 $0x3C00, s24;
	[sflag:s18] =	ssyncset.done $0x0  }
0x41: {  	s29 =	sadd.s32 $0x1000, s26;
	[sflag:s18] =	ssyncadd.s32 $0xFFFFC000  }
0x42: {  	[spmem:s1] =	stream.indirect.scatter.add.f32 [tilespmem:s20], [sflag:$0x4], $0x80, s29, s19, $0xb8;
	[tilespmem:$0x1D880] =	vst v63  }
0x43: {  	_ =	swait.ge [sflag:s12], $0x4000  }
0x44: {  	[sflag:s12] =	ssyncset.done $0x0  }
0x45: {  	s28 =	sshrl.u32 s28, $0x2;
	[sflag:s12] =	ssyncadd.s32 $0xFFFFC000  }
0x46: {  	[tilespmem:s20], [sflag:$0x2] =	stream.indirect.gather [hbm4b:s4+s19], $0x80, s28, s19, $0xb8;
	[tilespmem:$0x1D880] =	vst v63  }
0x47: {  	_ =	swait.ge [sflag:s21], $0x4000  }
0x48: {  	[sflag:s21] =	ssyncset.done $0x0  }
.Ltmp0:
0x49: {  	s26 =	sadd.s32 $0x1080, s26;
	[sflag:s21] =	ssyncadd.s32 $0xFFFFC000;
	(pc) =	sbr.rel @p1 .LBB2_2-.Ltmp0, $4  }
0x4a: {  	[spmem:s1] =	stream.indirect.scatter.add.f32 [tilespmem:s22], [sflag:$0x4], $0x80, s26, s19, $0xb8;
	[tilespmem:$0x1D880] =	vst v63  }
0x4b: {  	s25 =	sadd.s32 $0x600, s25;
	_ =	swait.ge [sflag:s12], $0x4000  }
0x4c: {  	s25 =	sand.u32 $0x3E00, s25;
	[sflag:s12] =	ssyncset.done $0x0  }
0x4d: {  	s25 =	sshrl.u32 s25, $0x2;
	[sflag:s12] =	ssyncadd.s32 $0xFFFFC000  }
0x4e: {  	[tilespmem:s22], [sflag:$0x3] =	stream.indirect.gather [hbm4b:s4+s19], $0x80, s25, s19, $0xb8;
	[tilespmem:$0x1D880] =	vst v63  }
0x4f: {  	_ =	swait.ge [sflag:s18], $0x4000  }
0x50: {  	[sflag:s18] =	ssyncset.done $0x0  }
0x51: {  	[sflag:s18] =	ssyncadd.s32 $0xFFFFC000  }
0x52: {  	_ =	swait.ge [sflag:s21], $0x4000  }
0x53: {  	[sflag:s21] =	ssyncset.done $0x0  }
0x54: {  	[sflag:s21] =	ssyncadd.s32 $0xFFFFC000  }
0x55: {  	s24 =	simm.s32 @p0 $0x1FC4;
	[bflag:$0x0] =	sbarrier.arrive $0xFFFF  }
0x56: {  	[hbm:s10], [sflag:s24] =	dma.local @p0 [spmem:s15], $0x1900  }
0x57: {  	s24 =	simm.s32 @p0 $0x4  }
0x58: {  	_ =	swait.ge @p0 [sflag:s24], $0x1900  }
0x59: {  	s23 =	sadd.s32 $0x1, s23;
	[sflag:s24] =	ssyncset.done @p0 $0x0  }
0x5a: {  	p1 =	sne.s32 s23, s11;
	[sflag:s24] =	ssyncadd.s32 @p0 $0xFFFFE700;
	s24 =	sor.u32 @!p0 $0x1C04, s14  }
0x5b: {  	[hbm:s9], [sflag:s24] =	dma.local @!p0 [spmem:s17], $0x2800  }
.Ltmp1:
0x5c: {  	_ = 	snop;
	(pc) =	sbr.rel @p1 .LBB2_1-.Ltmp1, $4  }
0x5d: {  	s24 =	simm.s32 @!p0 $0x4  }
0x5e: {  	_ =	swait.ge @!p0 [sflag:s24], $0x2800  }
0x5f: {  	[sflag:s24] =	ssyncset.done @!p0 $0x0  }
0x60: {  	[sflag:s24] =	ssyncadd.s32 @!p0 $0xFFFFD800  }
0x61: {  	_ =	sfence.sel $0x180000  }
0x62: {  	[bflag:$0x0] =	sbarrier.arrive $0xFFFF  }
0x63: {  	p0 =	sne.s32 s2, $0x0;
	_ =	strace $0x9000004D  }
0x64: {  	s0 =	sadd.s32 @!p0 $0x100000, s0;
	[bflag:$0x2] =	sbarrier.arrive $0xFFFF  }
0x65: {  	[sflag:s0] =	ssyncadd.tile.s32 @!p0 $0x1;
	_ =	shalt  }
.Lfunc_end2:
_tile_overlayer_lowered:
.L_overlay_start_2:
0x66: {  	(tag) =	ssettag $0x2  }
0x67: {  	s0 =	rddreg [dreg:$0x0];
	s2 =	stileid.u32  }
0x68: {  	s1 =	rddreg [dreg:$0x1];
	p0 =	sne.s32 s2, $0x0  }
0x69: {  	s3 =	rddreg [dreg:$0x2];
	[bflag:$0x3] =	sbarrier.arrive $0xFFFF;
	s2 =	simm.s32 @!p0 $0x1C04  }
0x6a: {  	[timem:s3], [sflag:s2] =	dma.local @!p0 [hbm:s0], s1  }
0x6b: {  	s0 =	simm.s32 @!p0 $0x4  }
0x6c: {  	_ =	swait.ge @!p0 [sflag:s0], s1  }
0x6d: {  	s1 =	ssub.s32 @!p0 $0x0, s1;
	[sflag:s0] =	ssyncset.done @!p0 $0x0  }
0x6e: {  	[sflag:s0] =	ssyncadd.s32 @!p0 s1  }
0x6f: {  	[bflag:$0x3] =	sbarrier.arrive $0xFFFF  }
0x70: {  	_ =	shalt  }

// kernel: kernel.8.cloned.1.call-start
scs
__scs_entry_jumppad:
0x0: {  	(pc) =	sbr.rel $0x88, $3  }
0x1: {  	(tag) =	ssettag $0x0;
	lr =	simm.s32 $0x1  }
0x2: {  	[smem:$0x3F9A] =	sst lr;
	_ =	strace $0xD0000000  }
0x3: {  	_ = 	snop  }
0x4: {  	_ = 	snop  }
0x5: {  	_ = 	snop  }
0x6: {  	_ = 	snop  }
0x7: {  	_ = 	snop  }
__scs_overlays_trampoline_lowered:
0x8: {  	[smem:$0x3FA9] =	sst s0  }
0x9: {  	[smem:$0x3FAA] =	sst s1  }
0xa: {  	[smem:$0x3FAB] =	sst s2  }
0xb: {  	[smem:$0x3FAC] =	sst s3  }
0xc: {  	[smem:$0x3FAD] =	sst s4  }
0xd: {  	[smem:$0x3FAE] =	sst s5  }
0xe: {  	[smem:$0x3FAF] =	sst s6  }
0xf: {  	[smem:$0x3FB0] =	sst s7  }
0x10: {  	[smem:$0x3FB1] =	sst s8  }
0x11: {  	[smem:$0x3FB2] =	sst s9;
	s0 =	simm.s32 @!p0 $0x0  }
0x12: {  	s1 =	sld [smem:$0x3F98];
	s0 =	simm.s32 @p0 $0x1  }
0x13: {  	[smem:$0x3FB3] =	sst s0;
	s0 =	simm.s32 @!p1 $0x0  }
0x14: {  	s2 =	sld [smem:$0x3F97];
	s0 =	simm.s32 @p1 $0x1  }
0x15: {  	[smem:$0x3FB4] =	sst s0;
	s0 =	simm.s32 @!p2 $0x0  }
0x16: {  	s3 =	sld [smem:$0x3FDB];
	s0 =	simm.s32 @p2 $0x1  }
0x17: {  	s4 =	simm.s32 $0x1BF5;
	[smem:$0x3FB6] =	sst s0  }
0x18: {  	s0 =	sld [smem:$0x3F99];
	_ =	swait.ge [sflag:s4], $0x0  }
0x19: {  	s7 =	sld [smem:$0x3F9A]  }
0x1a: {  	s8 =	sadd.s32 $0xFFFFE003, lr  }
0x1b: {  	s9 =	sadd.s32 $0xFFFFFEF7, lr;
	s5 =	simm.s32 $0xFFFFFFFF;
	p2 =	slt.u32 s8, $0xFFFFF086  }
0x1c: {  	p1 =	slt.u32 s9, $0xF7A;
	s5 =	simm.s32 @!p2 $0x0  }
0x1d: {  	s5 =	simm.s32 @p1 $0x1;
	p0 =	seq.s32 s7, s2  }
0x1e: {  	s7 =	smul.u32 @!p0 $0xF7A, s2;
	p2 =	seq.s32 @!p0 s5, $0x0  }
0x1f: {  	s9 =	smul.u32 $0xF7A, s1;
	s8 =	simm.s32 @!p0 $0x1BF5;
	p2 =	por !p2, p0  }
0x20: {  	[sflag:s8] =	ssyncset.s32 @!p0 $0xFFFFF086;
	s6 =	sadd.s32 @!p0 s3, s7;
	s7 =	simm.s32 @!p0 $0x108  }
0x21: {  	s3 =	sadd.s32 s3, s9;
	s6 =	sadd.s32 @!p0 $0x88, s6;
	s7 =	simm.s32 @p2 $0x1082  }
0x22: {  	[simem:s7], [sflag:s8] =	dma.local @!p0 [hbm:s6], $0xF7A  }
0x23: {  	s9 =	sor.u32 $0xD0000000, s2;
	s6 =	simm.s32 $0x108;
	_ =	swait.ge @!p0 [sflag:s8], $0x0  }
0x24: {  	s3 =	sadd.s32 $0x88, s3;
	s6 =	simm.s32 @!p1 $0x1082;
	[sflag:s4] =	ssyncset.s32 $0xFFFFF086  }
0x25: {  	[simem:s6], [sflag:s4] =	dma.local [hbm:s3], $0xF7A  }
0x26: {  	[smem:$0x3F9A] =	sst s1;
	(tag) =	ssettag s2;
	_ =	strace s9  }
0x27: {  	s1 =	sld [smem:$0x3FAA]  }
0x28: {  	s2 =	sld [smem:$0x3FAB]  }
0x29: {  	s4 =	sld [smem:$0x3FAD]  }
0x2a: {  	p0 =	seq.s32 s5, $0x0;
	s5 =	sld [smem:$0x3FAE]  }
0x2b: {  	s6 =	sld [smem:$0x3FAF]  }
0x2c: {  	s7 =	sld [smem:$0x3FB0]  }
0x2d: {  	s3 =	simm.s32 $0x108;
	s8 =	sld [smem:$0x3FB1]  }
0x2e: {  	s3 =	simm.s32 @!p0 $0x1082;
	s9 =	sld [smem:$0x3FB2]  }
0x2f: {  	lr =	sadd.s32 s0, s3;
	s0 =	sld [smem:$0x3FA9]  }
0x30: {  	s3 =	sld [smem:$0x3FAC]  }
0x31: {  	[smem:$0x3FB5] =	sst s10  }
0x32: {  	s10 =	sld [smem:$0x3FB3];
	_ =	sdelay $0x3  }
0x33: {  	p0 =	seq.s32 s10, $0x1;
	s10 =	sld [smem:$0x3FB5];
	_ =	sdelay $0x3  }
0x34: {  	[smem:$0x3FB5] =	sst s10  }
0x35: {  	s10 =	sld [smem:$0x3FB4];
	_ =	sdelay $0x3  }
0x36: {  	p1 =	seq.s32 s10, $0x1;
	s10 =	sld [smem:$0x3FB5];
	_ =	sdelay $0x3  }
0x37: {  	[smem:$0x3FB5] =	sst s10  }
0x38: {  	s10 =	sld [smem:$0x3FB6]  }
0x39: {  	_ = 	snop;
	(pc) =	sbr.ind lr, $3  }
0x3a: {  	_ = 	snop  }
0x3b: {  	_ = 	snop  }
0x3c: {  	p2 =	seq.s32 s10, $0x1;
	s10 =	sld [smem:$0x3FB5]  }
0x3d: {  	_ =	shalt  }
0x3e: {  	_ =	shalt  }
0x3f: {  	_ =	shalt  }
0x40: {  	_ =	shalt  }
0x41: {  	_ =	shalt  }
0x42: {  	_ =	shalt  }
0x43: {  	_ =	shalt  }
0x44: {  	_ =	shalt  }
0x45: {  	_ =	shalt  }
0x46: {  	_ =	shalt  }
0x47: {  	_ =	shalt  }
0x48: {  	_ =	shalt  }
0x49: {  	_ =	shalt  }
0x4a: {  	_ =	shalt  }
0x4b: {  	_ =	shalt  }
0x4c: {  	_ =	shalt  }
0x4d: {  	_ =	shalt  }
0x4e: {  	_ =	shalt  }
0x4f: {  	_ =	shalt  }
0x50: {  	_ =	shalt  }
0x51: {  	_ =	shalt  }
0x52: {  	_ =	shalt  }
0x53: {  	_ =	shalt  }
0x54: {  	_ =	shalt  }
0x55: {  	_ =	shalt  }
0x56: {  	_ =	shalt  }
0x57: {  	_ =	shalt  }
0x58: {  	_ =	shalt  }
0x59: {  	_ =	shalt  }
0x5a: {  	_ =	shalt  }
0x5b: {  	_ =	shalt  }
0x5c: {  	_ =	shalt  }
0x5d: {  	_ =	shalt  }
0x5e: {  	_ =	shalt  }
0x5f: {  	_ =	shalt  }
0x60: {  	_ =	shalt  }
0x61: {  	_ =	shalt  }
0x62: {  	_ =	shalt  }
0x63: {  	_ =	shalt  }
0x64: {  	_ =	shalt  }
0x65: {  	_ =	shalt  }
0x66: {  	_ =	shalt  }
0x67: {  	_ =	shalt  }
0x68: {  	_ =	shalt  }
0x69: {  	_ =	shalt  }
0x6a: {  	_ =	shalt  }
0x6b: {  	_ =	shalt  }
0x6c: {  	_ =	shalt  }
0x6d: {  	_ =	shalt  }
0x6e: {  	_ =	shalt  }
0x6f: {  	_ =	shalt  }
0x70: {  	_ =	shalt  }
0x71: {  	_ =	shalt  }
0x72: {  	_ =	shalt  }
0x73: {  	_ =	shalt  }
0x74: {  	_ =	shalt  }
0x75: {  	_ =	shalt  }
0x76: {  	_ =	shalt  }
0x77: {  	_ =	shalt  }
0x78: {  	_ =	shalt  }
0x79: {  	_ =	shalt  }
0x7a: {  	_ =	shalt  }
0x7b: {  	_ =	shalt  }
0x7c: {  	_ =	shalt  }
0x7d: {  	_ =	shalt  }
0x7e: {  	_ =	shalt  }
0x7f: {  	_ =	shalt  }
0x80: {  	_ =	shalt  }
0x81: {  	_ =	shalt  }
0x82: {  	_ =	shalt  }
0x83: {  	_ =	shalt  }
0x84: {  	_ =	shalt  }
0x85: {  	_ =	shalt  }
0x86: {  	_ =	shalt  }
0x87: {  	_ =	shalt  }
.Lfunc_end0:
.L_simem_size_0:
called_computation_lowered:
.L_overlay_start_0:
0x88: {  	s2 =	sld [smem:$0x3FD9]  }
0x89: {  	s3 =	sld [smem:$0x3FFE];
	_ =	sdelay $0x1  }
0x8a: {  	s1 =	srdreg.scid  }
0x8b: {  	s0 =	sand.u32 $0x1, s1  }
0x8c: {  	s17 =	sshll.u32 s0, $0xA;
	s2 =	sadd.s32 s3, s2  }
0x8d: {  	s2 =	sadd.s32 s2, s17  }
0x8e: {  	[smem:$0x3FC1] =	sst s2  }
0x8f: {  	_ = 	snop  }
0x90: {  	s2 =	sld [smem:$0x3FD0];
	(tm) =	ssettm $0x1  }
0x91: {  	s18 =	sld [smem:$0x3FFB];
	_ =	sdelay $0x3  }
0x92: {  	_ =	strace s18  }
0x93: {  	s3 =	sld [smem:$0x3FFC];
	_ =	sdelay $0x3  }
0x94: {  	_ =	strace s3  }
0x95: {  	s3 =	sld [smem:$0x3FFD];
	_ =	sdelay $0x3  }
0x96: {  	_ =	strace s3  }
0x97: {  	_ =	strace $0x8FFFFFFF  }
0x98: {  	s19 =	sld [smem:$0x3FDB];
	_ =	sdelay $0x1  }
0x99: {  	s4 =	simm.s32 $_scs_section_size  }
0x9a: {  	s5 =	simm.s32 $_size__tile_overlayer_lowered;
	s6 =	simm.s32 $_tile_overlayer_lowered  }
0x9b: {  	s22 =	simm.s32 $0x1BFF;
	s21 =	sshll.u32 s6, $0x1;
	s3 =	sadd.s32 s4, s19  }
0x9c: {  	s7 =	simm.s32 $0x0;
	s20 =	sshll.u32 s5, $0x1;
	s5 =	sadd.s32 s21, s3  }
0x9d: {  	[timem:s7], [sflag:s22] =	dma.local [hbm:s5], s20  }
0x9e: {  	_ =	swait.ge [sflag:s22], s20  }
0x9f: {  	s4 =	ssub.s32 $0x0, s20;
	[sflag:s22] =	ssyncset.done $0x0  }
0xa0: {  	[sflag:s22] =	ssyncadd.s32 s4;
	_ =	sdelay $0x1  }
0xa1: {  	s23 =	simm.s32 $0x1B8B  }
0xa2: {  	_ =	swait.ge [sflag:s23], $0x1  }
0xa3: {  	[sflag:s23] =	ssyncset.done $0x0  }
0xa4: {  	s25 =	simm.s32 $0x1B8E;
	s24 =	sld [smem:$0x3FFE];
	[sflag:s23] =	ssyncadd.s32 $0xFFFFFFFF  }
0xa5: {  	s26 =	simm.s32 $execute0_lowered;
	[smem:$0x3FD2] =	sst s25  }
0xa6: {  	s5 =	sshll.u32 s26, $0x1;
	_ =	strace $0x80000046;
	[dreg:$0x1] =	wrdreg $0xFFFFFFFF  }
0xa7: {  	s28 =	simm.s32 $_size_execute0_lowered;
	s3 =	sadd.s32 s3, s5;
	[dreg:$0x0] =	wrdreg $0x0  }
0xa8: {  	s5 =	sshll.u32 s28, $0x1;
	[dreg:$0x2] =	wrdreg s3  }
0xa9: {  	[dreg:$0x3] =	wrdreg s5  }
0xaa: {  	[dreg:$0x4] =	wrdreg $0xC0  }
0xab: {  	_ =	task [dreg:s7], $0x5FFFF  }
0xac: {  	[dreg:$0x1] =	wrdreg $0xFFFFFFFF  }
0xad: {  	[dreg:$0x0] =	wrdreg $0x60  }
0xae: {  	[dreg:$0x2] =	wrdreg s2  }
0xaf: {  	[dreg:$0x3] =	wrdreg s24  }
0xb0: {  	[dreg:$0x4] =	wrdreg $0x10000  }
0xb1: {  	[dreg:$0x5] =	wrdreg $0x9  }
0xb2: {  	_ =	task.clear_ibuf [dreg:s7], $0x6FFFF;
	_ =	strace $0x90000046  }
0xb3: {  	s29 =	simm.s32 $0x9;
	_ =	strace $0x80000048  }
0xb4: {  	_ =	swait.ge [sflag:s29], $0x1  }
0xb5: {  	[sflag:s29] =	ssyncadd.s32 $0xFFFFFFFF  }
0xb6: {  	_ =	strace $0x90000048  }
0xb7: {  	_ =	sfence  }
0xb8: {  	s30 =	sld [smem:$0x0];
	_ =	sdelay $0x2  }
0xb9: {  	s31 =	sshll.u32 s1, $0xD;
	s1 =	sshrl.u32 s1, $0x2  }
0xba: {  	s3 =	sand.u32 $0x4000, s31;
	s1 =	sadd.s32 s1, s30  }
0xbb: {  	s0 =	sor.u32 s3, s0;
	s1 =	sshll.u32 s1, $0x11  }
0xbc: {  	s0 =	sor.u32 s1, s0  }
0xbd: {  	s0 =	sadd.s32 $0x8F2B, s0  }
0xbe: {  	[sflag:s0] =	ssyncadd.remote.s32 $0x1  }
0xbf: {  	_ =	sfence.sel $0xFFFF  }
0xc0: {  	[dreg:$0x0] =	wrdreg $0xFFFFFFFF;
	(pc) =	sbr.abs _section_cstart, $3  }
0xc1: {  	[dreg:$0x1] =	wrdreg $0xFFFFFFFF  }
0xc2: {  	_ =	task.clear_ibuf [dreg:s7], $0x2FFFF;
	_ =	strace $0x9FFFFFFF  }
0xc3: {  	(tm) =	ssettm $0x7FFFFFFF  }
tec
execute0_lowered:
.L_overlay_start_1:
0x0: {  	(tag) =	ssettag $0x1  }
0x1: {  	s0 =	rddreg [dreg:$0x0]  }
0x2: {  	s3 =	rddreg [dreg:$0x1]  }
0x3: {  	s2 =	rddreg [dreg:$0x2]  }
0x4: {  	s30 =	rddreg [dreg:$0x3];
	s12 =	simm.s32 $0x0;
	s4 =	srdreg.scid  }
0x5: {  	s31 =	stileid.u32;
	s26 =	simm.s32 $0x100;
	s25 =	simm.s32 $0x180  }
0x6: {  	s24 =	simm.s32 $0x200;
	s23 =	simm.s32 $0x280;
	s21 =	simm.s32 $0x300  }
0x7: {  	s20 =	simm.s32 $0x380;
	s19 =	simm.s32 $0x400;
	s18 =	simm.s32 $0x480  }
0x8: {  	s17 =	simm.s32 $0x500;
	s16 =	simm.s32 $0x580;
	p1 =	por $0x0, $0x0  }
0x9: {  	[smem:$0x7FF] =	sst s12;
	s1 =	sadd.s32 $0x2600, s3;
	s22 =	sadd.s32 $0x2000, s3  }
0xa: {  	s4 =	sand.u32 $0x1, s4;
	s5 =	smul.u32 $0xA000, s31;
	s6 =	sadd.s32 $0x2800, s3  }
0xb: {  	s9 =	smul.u32 $0x2800, s31;
	s11 =	sshll.u32 s31, $0x8;
	p0 =	seq.s32 s31, $0xF  }
0xc: {  	_ =	strace $0x80000047;
	[dreg:$0x4] =	wrdreg s1;
	s10 =	ssub.s32 $0x2, s4  }
0xd: {  	s7 =	smul.u32 $0x27100, s4;
	s4 =	sshll.u32 s4, $0xC;
	s0 =	sadd.s32 s0, s11  }
0xe: {  	s8 =	sshrl.u32 s10, $0x1;
	s5 =	sshrl.u32 s5, $0x2;
	s0 =	sadd.s32 s4, s0  }
0xf: {  	s11 =	sadd.s32 s9, s2;
	s8 =	ssub.s32 s10, s8;
	s14 =	sshrl.u32 s7, $0x3  }
0x10: {  	[dreg:$0x5] =	wrdreg s0;
	s0 =	sadd.s32 s6, s14;
	s15 =	smax.u32 s8, $0x1  }
0x11: {  	s10 =	sadd.s32 s5, s2;
	s4 =	sadd.s32 $0x4B00, s0;
	s0 =	sadd.s32 $0xFFFFFFFF, s15  }
0x12: {  	s13 =	sadd.s32 s9, s7;
	s5 =	sadd.s32 $0x25800, s2;
	p2 =	sne.s32 s0, $0x0  }
.Ltmp0:
0x13: {  	s7 =	sshll.u32 @!p0 s31, $0x6;
	s9 =	simm.s32 $0x80;
	(pc) =	sbr.rel @!p2 .LBB2_5-.Ltmp0, $4  }
0x14: {  	s3 =	sshrl.u32 s13, $0x3;
	s28 =	sshrl.u32 @!p0 s10, $0x3;
	s8 =	simm.s32 $0x800  }
0x15: {  	s14 =	simm.s32 $0x600;
	s10 =	sshrl.u32 @!p0 s11, $0x3;
	s13 =	simm.s32 $0x700  }
0x16: {  	s11 =	simm.s32 $0x780;
	s3 =	sadd.s32 s6, s3;
	s6 =	sshrl.u32 @p0 s5, $0x3  }
0x17: {  	s5 =	sor.u32 @!p0 $0x1C01, s7;
	s7 =	simm.s32 $0x1;
	s15 =	simm.s32 $0x680  }
0x18: {  	s30 =	simm.s32 @p0 $0x1FC1;
	s31 =	simm.s32 @p0 $0x1  }
0x19: {  	[spmem:s6], [sflag:s30] =	dma.local @p0 [hbm:s22], $0x320  }
0x1a: {  	_ =	swait.ge @p0 [sflag:s31], $0x320  }
0x1b: {  	[sflag:s31] =	ssyncset.done @p0 $0x0  }
0x1c: {  	s29 =	simm.s32 @!p0 $0x1;
	[sflag:s31] =	ssyncadd.s32 @p0 $0xFFFFFCE0  }
0x1d: {  	[spmem:s28], [sflag:s5] =	dma.local @!p0 [hbm:s22], $0x500  }
0x1e: {  	_ =	swait.ge @!p0 [sflag:s29], $0x500  }
0x1f: {  	[sflag:s29] =	ssyncset.done @!p0 $0x0  }
0x20: {  	s1 =	rddreg [dreg:$0x5];
	[sflag:s29] =	ssyncadd.s32 @!p0 $0xFFFFFB00  }
0x21: {  	[tilespmem:s12], [sflag:$0x1] =	stream.linear.gather [hbm4b:s1+s12], $0x800, $0x38;
	[tilespmem:$0x3710] =	vst v63  }
0x22: {  	_ =	swait.ge [sflag:s7], $0x800  }
0x23: {  	[sflag:s7] =	ssyncset.done $0x0  }
0x24: {  	s1 =	rddreg [dreg:$0x4];
	[sflag:s7] =	ssyncadd.s32 $0xFFFFF800  }
0x25: {  	[tilespmem:s8], [sflag:$0x1] =	stream.linear.gather [hbm4b:s1+s12], $0x800, $0x38;
	[tilespmem:$0x3710] =	vst v63  }
0x26: {  	_ =	swait.ge [sflag:s7], $0x800  }
0x27: {  	[sflag:s7] =	ssyncset.done $0x0  }
0x28: {  	[sflag:s7] =	ssyncadd.s32 $0xFFFFF800  }
0x29: {  	[bflag:$0x0] =	sbarrier.arrive $0xFFFF  }
0x2a: {  	[spmem:s2] =	stream.indirect.scatter.add.f32 [tilespmem:s8], [sflag:$0x1], $0x10, s12, s9, $0xb8;
	[tilespmem:$0x3710] =	vst v63  }
0x2b: {  	_ =	swait.ge [sflag:s7], $0x800  }
0x2c: {  	[sflag:s7] =	ssyncset.done $0x0  }
0x2d: {  	[sflag:s7] =	ssyncadd.s32 $0xFFFFF800  }
0x2e: {  	[spmem:s2] =	stream.indirect.scatter.add.f32 [tilespmem:s8], [sflag:$0x1], $0x10, s9, s9, $0xb8;
	[tilespmem:$0x3710] =	vst v63  }
0x2f: {  	_ =	swait.ge [sflag:s7], $0x800  }
0x30: {  	[sflag:s7] =	ssyncset.done $0x0  }
0x31: {  	[sflag:s7] =	ssyncadd.s32 $0xFFFFF800  }
0x32: {  	[spmem:s2] =	stream.indirect.scatter.add.f32 [tilespmem:s8], [sflag:$0x1], $0x10, s26, s9, $0xb8;
	[tilespmem:$0x3710] =	vst v63  }
0x33: {  	_ =	swait.ge [sflag:s7], $0x800  }
0x34: {  	[sflag:s7] =	ssyncset.done $0x0  }
0x35: {  	[sflag:s7] =	ssyncadd.s32 $0xFFFFF800  }
0x36: {  	[spmem:s2] =	stream.indirect.scatter.add.f32 [tilespmem:s8], [sflag:$0x1], $0x10, s25, s9, $0xb8;
	[tilespmem:$0x3710] =	vst v63  }
0x37: {  	_ =	swait.ge [sflag:s7], $0x800  }
0x38: {  	[sflag:s7] =	ssyncset.done $0x0  }
0x39: {  	[sflag:s7] =	ssyncadd.s32 $0xFFFFF800  }
0x3a: {  	[spmem:s2] =	stream.indirect.scatter.add.f32 [tilespmem:s8], [sflag:$0x1], $0x10, s24, s9, $0xb8;
	[tilespmem:$0x3710] =	vst v63  }
0x3b: {  	_ =	swait.ge [sflag:s7], $0x800  }
0x3c: {  	[sflag:s7] =	ssyncset.done $0x0  }
0x3d: {  	[sflag:s7] =	ssyncadd.s32 $0xFFFFF800  }
0x3e: {  	[spmem:s2] =	stream.indirect.scatter.add.f32 [tilespmem:s8], [sflag:$0x1], $0x10, s23, s9, $0xb8;
	[tilespmem:$0x3710] =	vst v63  }
0x3f: {  	_ =	swait.ge [sflag:s7], $0x800  }
0x40: {  	[sflag:s7] =	ssyncset.done $0x0  }
0x41: {  	[sflag:s7] =	ssyncadd.s32 $0xFFFFF800  }
0x42: {  	[spmem:s2] =	stream.indirect.scatter.add.f32 [tilespmem:s8], [sflag:$0x1], $0x10, s21, s9, $0xb8;
	[tilespmem:$0x3710] =	vst v63  }
0x43: {  	_ =	swait.ge [sflag:s7], $0x800  }
0x44: {  	[sflag:s7] =	ssyncset.done $0x0  }
0x45: {  	[sflag:s7] =	ssyncadd.s32 $0xFFFFF800  }
0x46: {  	[spmem:s2] =	stream.indirect.scatter.add.f32 [tilespmem:s8], [sflag:$0x1], $0x10, s20, s9, $0xb8;
	[tilespmem:$0x3710] =	vst v63  }
0x47: {  	_ =	swait.ge [sflag:s7], $0x800  }
0x48: {  	[sflag:s7] =	ssyncset.done $0x0  }
0x49: {  	[sflag:s7] =	ssyncadd.s32 $0xFFFFF800  }
0x4a: {  	[spmem:s2] =	stream.indirect.scatter.add.f32 [tilespmem:s8], [sflag:$0x1], $0x10, s19, s9, $0xb8;
	[tilespmem:$0x3710] =	vst v63  }
0x4b: {  	_ =	swait.ge [sflag:s7], $0x800  }
0x4c: {  	[sflag:s7] =	ssyncset.done $0x0  }
0x4d: {  	[sflag:s7] =	ssyncadd.s32 $0xFFFFF800  }
0x4e: {  	[spmem:s2] =	stream.indirect.scatter.add.f32 [tilespmem:s8], [sflag:$0x1], $0x10, s18, s9, $0xb8;
	[tilespmem:$0x3710] =	vst v63  }
0x4f: {  	_ =	swait.ge [sflag:s7], $0x800  }
0x50: {  	[sflag:s7] =	ssyncset.done $0x0  }
0x51: {  	[sflag:s7] =	ssyncadd.s32 $0xFFFFF800  }
0x52: {  	[spmem:s2] =	stream.indirect.scatter.add.f32 [tilespmem:s8], [sflag:$0x1], $0x10, s17, s9, $0xb8;
	[tilespmem:$0x3710] =	vst v63  }
0x53: {  	_ =	swait.ge [sflag:s7], $0x800  }
0x54: {  	[sflag:s7] =	ssyncset.done $0x0  }
0x55: {  	[sflag:s7] =	ssyncadd.s32 $0xFFFFF800  }
0x56: {  	[spmem:s2] =	stream.indirect.scatter.add.f32 [tilespmem:s8], [sflag:$0x1], $0x10, s16, s9, $0xb8;
	[tilespmem:$0x3710] =	vst v63  }
0x57: {  	_ =	swait.ge [sflag:s7], $0x800  }
0x58: {  	[sflag:s7] =	ssyncset.done $0x0  }
0x59: {  	[sflag:s7] =	ssyncadd.s32 $0xFFFFF800  }
0x5a: {  	[spmem:s2] =	stream.indirect.scatter.add.f32 [tilespmem:s8], [sflag:$0x1], $0x10, s14, s9, $0xb8;
	[tilespmem:$0x3710] =	vst v63  }
0x5b: {  	_ =	swait.ge [sflag:s7], $0x800  }
0x5c: {  	[sflag:s7] =	ssyncset.done $0x0  }
0x5d: {  	[sflag:s7] =	ssyncadd.s32 $0xFFFFF800  }
0x5e: {  	[spmem:s2] =	stream.indirect.scatter.add.f32 [tilespmem:s8], [sflag:$0x1], $0x10, s15, s9, $0xb8;
	[tilespmem:$0x3710] =	vst v63  }
0x5f: {  	_ =	swait.ge [sflag:s7], $0x800  }
0x60: {  	[sflag:s7] =	ssyncset.done $0x0  }
0x61: {  	[sflag:s7] =	ssyncadd.s32 $0xFFFFF800  }
0x62: {  	[spmem:s2] =	stream.indirect.scatter.add.f32 [tilespmem:s8], [sflag:$0x1], $0x10, s13, s9, $0xb8;
	[tilespmem:$0x3710] =	vst v63  }
0x63: {  	_ =	swait.ge [sflag:s7], $0x800  }
0x64: {  	[sflag:s7] =	ssyncset.done $0x0  }
0x65: {  	[sflag:s7] =	ssyncadd.s32 $0xFFFFF800  }
0x66: {  	[spmem:s2] =	stream.indirect.scatter.add.f32 [tilespmem:s8], [sflag:$0x1], $0x10, s11, s9, $0xb8;
	[tilespmem:$0x3710] =	vst v63  }
0x67: {  	_ =	swait.ge [sflag:s7], $0x800  }
0x68: {  	[sflag:s7] =	ssyncset.done $0x0  }
0x69: {  	[sflag:s7] =	ssyncadd.s32 $0xFFFFF800  }
0x6a: {  	s0 =	sadd.s32 $0xFFFFFFFF, s0;
	[bflag:$0x0] =	sbarrier.arrive $0xFFFF  }
0x6b: {  	[hbm:s4], [sflag:s30] =	dma.local @p0 [spmem:s6], $0x320  }
0x6c: {  	p2 =	sne.s32 s0, $0x0;
	_ =	swait.ge @p0 [sflag:s31], $0x320  }
.Ltmp1:
0x6d: {  	[sflag:s31] =	ssyncset.done @p0 $0x0;
	(pc) =	sbr.rel @!p2 .LBB2_2-.Ltmp1, $4  }
0x6e: {  	[sflag:s31] =	ssyncadd.s32 @p0 $0xFFFFFCE0  }
0x6f: {  	[hbm:s3], [sflag:s5] =	dma.local @!p0 [spmem:s10], $0x500  }
0x70: {  	_ =	swait.ge @!p0 [sflag:s29], $0x500  }
0x71: {  	p1 =	por $0x1, $0x1;
	[sflag:s29] =	ssyncset.done @!p0 $0x0  }
.LBB2_3:
0x72: {  	[sflag:s29] =	ssyncadd.s32 @!p0 $0xFFFFFB00  }
0x73: {  	[spmem:s6], [sflag:s30] =	dma.local @p0 [hbm:s22], $0x320  }
0x74: {  	_ =	swait.ge @p0 [sflag:s31], $0x320  }
0x75: {  	[sflag:s31] =	ssyncset.done @p0 $0x0  }
0x76: {  	[sflag:s31] =	ssyncadd.s32 @p0 $0xFFFFFCE0  }
0x77: {  	[spmem:s28], [sflag:s5] =	dma.local @!p0 [hbm:s22], $0x500  }
0x78: {  	_ =	swait.ge @!p0 [sflag:s29], $0x500  }
0x79: {  	[sflag:s29] =	ssyncset.done @!p0 $0x0  }
0x7a: {  	s1 =	rddreg [dreg:$0x5];
	[sflag:s29] =	ssyncadd.s32 @!p0 $0xFFFFFB00  }
0x7b: {  	[tilespmem:s12], [sflag:$0x1] =	stream.linear.gather [hbm4b:s1+s12], $0x800, $0x38;
	[tilespmem:$0x3710] =	vst v63  }
0x7c: {  	_ =	swait.ge [sflag:s7], $0x800  }
0x7d: {  	[sflag:s7] =	ssyncset.done $0x0  }
0x7e: {  	s1 =	rddreg [dreg:$0x4];
	[sflag:s7] =	ssyncadd.s32 $0xFFFFF800  }
0x7f: {  	[tilespmem:s8], [sflag:$0x1] =	stream.linear.gather [hbm4b:s1+s12], $0x800, $0x38;
	[tilespmem:$0x3710] =	vst v63  }
0x80: {  	_ =	swait.ge [sflag:s7], $0x800  }
0x81: {  	[sflag:s7] =	ssyncset.done $0x0  }
0x82: {  	[sflag:s7] =	ssyncadd.s32 $0xFFFFF800  }
0x83: {  	[bflag:$0x0] =	sbarrier.arrive $0xFFFF  }
0x84: {  	[spmem:s2] =	stream.indirect.scatter.add.f32 [tilespmem:s8], [sflag:$0x1], $0x10, s12, s9, $0xb8;
	[tilespmem:$0x3710] =	vst v63  }
0x85: {  	_ =	swait.ge [sflag:s7], $0x800  }
0x86: {  	[sflag:s7] =	ssyncset.done $0x0  }
0x87: {  	[sflag:s7] =	ssyncadd.s32 $0xFFFFF800  }
0x88: {  	[spmem:s2] =	stream.indirect.scatter.add.f32 [tilespmem:s8], [sflag:$0x1], $0x10, s9, s9, $0xb8;
	[tilespmem:$0x3710] =	vst v63  }
0x89: {  	_ =	swait.ge [sflag:s7], $0x800  }
0x8a: {  	[sflag:s7] =	ssyncset.done $0x0  }
0x8b: {  	[sflag:s7] =	ssyncadd.s32 $0xFFFFF800  }
0x8c: {  	[spmem:s2] =	stream.indirect.scatter.add.f32 [tilespmem:s8], [sflag:$0x1], $0x10, s26, s9, $0xb8;
	[tilespmem:$0x3710] =	vst v63  }
0x8d: {  	_ =	swait.ge [sflag:s7], $0x800  }
0x8e: {  	[sflag:s7] =	ssyncset.done $0x0  }
0x8f: {  	[sflag:s7] =	ssyncadd.s32 $0xFFFFF800  }
0x90: {  	[spmem:s2] =	stream.indirect.scatter.add.f32 [tilespmem:s8], [sflag:$0x1], $0x10, s25, s9, $0xb8;
	[tilespmem:$0x3710] =	vst v63  }
0x91: {  	_ =	swait.ge [sflag:s7], $0x800  }
0x92: {  	[sflag:s7] =	ssyncset.done $0x0  }
0x93: {  	[sflag:s7] =	ssyncadd.s32 $0xFFFFF800  }
0x94: {  	[spmem:s2] =	stream.indirect.scatter.add.f32 [tilespmem:s8], [sflag:$0x1], $0x10, s24, s9, $0xb8;
	[tilespmem:$0x3710] =	vst v63  }
0x95: {  	_ =	swait.ge [sflag:s7], $0x800  }
0x96: {  	[sflag:s7] =	ssyncset.done $0x0  }
0x97: {  	[sflag:s7] =	ssyncadd.s32 $0xFFFFF800  }
0x98: {  	[spmem:s2] =	stream.indirect.scatter.add.f32 [tilespmem:s8], [sflag:$0x1], $0x10, s23, s9, $0xb8;
	[tilespmem:$0x3710] =	vst v63  }
0x99: {  	_ =	swait.ge [sflag:s7], $0x800  }
0x9a: {  	[sflag:s7] =	ssyncset.done $0x0  }
0x9b: {  	[sflag:s7] =	ssyncadd.s32 $0xFFFFF800  }
0x9c: {  	[spmem:s2] =	stream.indirect.scatter.add.f32 [tilespmem:s8], [sflag:$0x1], $0x10, s21, s9, $0xb8;
	[tilespmem:$0x3710] =	vst v63  }
0x9d: {  	_ =	swait.ge [sflag:s7], $0x800  }
0x9e: {  	[sflag:s7] =	ssyncset.done $0x0  }
0x9f: {  	[sflag:s7] =	ssyncadd.s32 $0xFFFFF800  }
0xa0: {  	[spmem:s2] =	stream.indirect.scatter.add.f32 [tilespmem:s8], [sflag:$0x1], $0x10, s20, s9, $0xb8;
	[tilespmem:$0x3710] =	vst v63  }
0xa1: {  	_ =	swait.ge [sflag:s7], $0x800  }
0xa2: {  	[sflag:s7] =	ssyncset.done $0x0  }
0xa3: {  	[sflag:s7] =	ssyncadd.s32 $0xFFFFF800  }
0xa4: {  	[spmem:s2] =	stream.indirect.scatter.add.f32 [tilespmem:s8], [sflag:$0x1], $0x10, s19, s9, $0xb8;
	[tilespmem:$0x3710] =	vst v63  }
0xa5: {  	_ =	swait.ge [sflag:s7], $0x800  }
0xa6: {  	[sflag:s7] =	ssyncset.done $0x0  }
0xa7: {  	[sflag:s7] =	ssyncadd.s32 $0xFFFFF800  }
0xa8: {  	[spmem:s2] =	stream.indirect.scatter.add.f32 [tilespmem:s8], [sflag:$0x1], $0x10, s18, s9, $0xb8;
	[tilespmem:$0x3710] =	vst v63  }
0xa9: {  	_ =	swait.ge [sflag:s7], $0x800  }
0xaa: {  	[sflag:s7] =	ssyncset.done $0x0  }
0xab: {  	[sflag:s7] =	ssyncadd.s32 $0xFFFFF800  }
0xac: {  	[spmem:s2] =	stream.indirect.scatter.add.f32 [tilespmem:s8], [sflag:$0x1], $0x10, s17, s9, $0xb8;
	[tilespmem:$0x3710] =	vst v63  }
0xad: {  	_ =	swait.ge [sflag:s7], $0x800  }
0xae: {  	[sflag:s7] =	ssyncset.done $0x0  }
0xaf: {  	[sflag:s7] =	ssyncadd.s32 $0xFFFFF800  }
0xb0: {  	[spmem:s2] =	stream.indirect.scatter.add.f32 [tilespmem:s8], [sflag:$0x1], $0x10, s16, s9, $0xb8;
	[tilespmem:$0x3710] =	vst v63  }
0xb1: {  	_ =	swait.ge [sflag:s7], $0x800  }
0xb2: {  	[sflag:s7] =	ssyncset.done $0x0  }
0xb3: {  	[sflag:s7] =	ssyncadd.s32 $0xFFFFF800  }
0xb4: {  	[spmem:s2] =	stream.indirect.scatter.add.f32 [tilespmem:s8], [sflag:$0x1], $0x10, s14, s9, $0xb8;
	[tilespmem:$0x3710] =	vst v63  }
0xb5: {  	_ =	swait.ge [sflag:s7], $0x800  }
0xb6: {  	[sflag:s7] =	ssyncset.done $0x0  }
0xb7: {  	[sflag:s7] =	ssyncadd.s32 $0xFFFFF800  }
0xb8: {  	[spmem:s2] =	stream.indirect.scatter.add.f32 [tilespmem:s8], [sflag:$0x1], $0x10, s15, s9, $0xb8;
	[tilespmem:$0x3710] =	vst v63  }
0xb9: {  	_ =	swait.ge [sflag:s7], $0x800  }
0xba: {  	[sflag:s7] =	ssyncset.done $0x0  }
0xbb: {  	[sflag:s7] =	ssyncadd.s32 $0xFFFFF800  }
0xbc: {  	[spmem:s2] =	stream.indirect.scatter.add.f32 [tilespmem:s8], [sflag:$0x1], $0x10, s13, s9, $0xb8;
	[tilespmem:$0x3710] =	vst v63  }
0xbd: {  	_ =	swait.ge [sflag:s7], $0x800  }
0xbe: {  	[sflag:s7] =	ssyncset.done $0x0  }
0xbf: {  	[sflag:s7] =	ssyncadd.s32 $0xFFFFF800  }
0xc0: {  	[spmem:s2] =	stream.indirect.scatter.add.f32 [tilespmem:s8], [sflag:$0x1], $0x10, s11, s9, $0xb8;
	[tilespmem:$0x3710] =	vst v63  }
0xc1: {  	_ =	swait.ge [sflag:s7], $0x800  }
0xc2: {  	[sflag:s7] =	ssyncset.done $0x0  }
0xc3: {  	[sflag:s7] =	ssyncadd.s32 $0xFFFFF800  }
0xc4: {  	s0 =	sadd.s32 $0xFFFFFFFF, s0;
	[bflag:$0x0] =	sbarrier.arrive $0xFFFF  }
0xc5: {  	[hbm:s4], [sflag:s30] =	dma.local @p0 [spmem:s6], $0x320  }
0xc6: {  	p2 =	sne.s32 s0, $0x0;
	_ =	swait.ge @p0 [sflag:s31], $0x320  }
.Ltmp2:
0xc7: {  	[sflag:s31] =	ssyncset.done @p0 $0x0;
	(pc) =	sbr.rel @p2 .LBB2_3-.Ltmp2, $4  }
0xc8: {  	[sflag:s31] =	ssyncadd.s32 @p0 $0xFFFFFCE0  }
0xc9: {  	[hbm:s3], [sflag:s5] =	dma.local @!p0 [spmem:s10], $0x500  }
0xca: {  	_ =	swait.ge @!p0 [sflag:s29], $0x500  }
0xcb: {  	[sflag:s29] =	ssyncset.done @!p0 $0x0  }
0xcc: {  	s30 =	rddreg [dreg:$0x3];
	s31 =	stileid.u32  }
.LBB2_5:
0xcd: {  	p1 =	por p0, !p1  }
0xce: {  	s0 =	simm.s32 @p0 $0x1;
	[sflag:s29] =	ssyncadd.s32 @!p1 $0xFFFFFB00;
	s29 =	simm.s32 @p0 $0x1FC1  }
0xcf: {  	[spmem:s6], [sflag:s29] =	dma.local @p0 [hbm:s22], $0x320  }
0xd0: {  	_ =	swait.ge @p0 [sflag:s0], $0x320  }
0xd1: {  	[sflag:s0] =	ssyncset.done @p0 $0x0  }
0xd2: {  	[sflag:s0] =	ssyncadd.s32 @p0 $0xFFFFFCE0  }
0xd3: {  	[spmem:s28], [sflag:s5] =	dma.local @!p0 [hbm:s22], $0x500  }
0xd4: {  	s22 =	simm.s32 @!p0 $0x1  }
0xd5: {  	_ =	swait.ge @!p0 [sflag:s22], $0x500  }
0xd6: {  	[sflag:s22] =	ssyncset.done @!p0 $0x0  }
0xd7: {  	s1 =	rddreg [dreg:$0x5];
	[sflag:s22] =	ssyncadd.s32 @!p0 $0xFFFFFB00  }
0xd8: {  	[tilespmem:s12], [sflag:$0x1] =	stream.linear.gather [hbm4b:s1+s12], $0x800, $0x38;
	[tilespmem:$0x3710] =	vst v63  }
0xd9: {  	_ =	swait.ge [sflag:s7], $0x800  }
0xda: {  	[sflag:s7] =	ssyncset.done $0x0  }
0xdb: {  	s28 =	rddreg [dreg:$0x4];
	[sflag:s7] =	ssyncadd.s32 $0xFFFFF800  }
0xdc: {  	[tilespmem:s8], [sflag:$0x1] =	stream.linear.gather [hbm4b:s28+s12], $0x800, $0x38;
	[tilespmem:$0x3710] =	vst v63  }
0xdd: {  	_ =	swait.ge [sflag:s7], $0x800  }
0xde: {  	[sflag:s7] =	ssyncset.done $0x0  }
0xdf: {  	[sflag:s7] =	ssyncadd.s32 $0xFFFFF800  }
0xe0: {  	[bflag:$0x0] =	sbarrier.arrive $0xFFFF  }
0xe1: {  	[spmem:s2] =	stream.indirect.scatter.add.f32 [tilespmem:s8], [sflag:$0x1], $0x10, s12, s9, $0xb8;
	[tilespmem:$0x3710] =	vst v63  }
0xe2: {  	_ =	swait.ge [sflag:s7], $0x800  }
0xe3: {  	[sflag:s7] =	ssyncset.done $0x0  }
0xe4: {  	[sflag:s7] =	ssyncadd.s32 $0xFFFFF800  }
0xe5: {  	[spmem:s2] =	stream.indirect.scatter.add.f32 [tilespmem:s8], [sflag:$0x1], $0x10, s9, s9, $0xb8;
	[tilespmem:$0x3710] =	vst v63  }
0xe6: {  	_ =	swait.ge [sflag:s7], $0x800  }
0xe7: {  	[sflag:s7] =	ssyncset.done $0x0  }
0xe8: {  	[sflag:s7] =	ssyncadd.s32 $0xFFFFF800  }
0xe9: {  	[spmem:s2] =	stream.indirect.scatter.add.f32 [tilespmem:s8], [sflag:$0x1], $0x10, s26, s9, $0xb8;
	[tilespmem:$0x3710] =	vst v63  }
0xea: {  	_ =	swait.ge [sflag:s7], $0x800  }
0xeb: {  	[sflag:s7] =	ssyncset.done $0x0  }
0xec: {  	[sflag:s7] =	ssyncadd.s32 $0xFFFFF800  }
0xed: {  	[spmem:s2] =	stream.indirect.scatter.add.f32 [tilespmem:s8], [sflag:$0x1], $0x10, s25, s9, $0xb8;
	[tilespmem:$0x3710] =	vst v63  }
0xee: {  	_ =	swait.ge [sflag:s7], $0x800  }
0xef: {  	[sflag:s7] =	ssyncset.done $0x0  }
0xf0: {  	[sflag:s7] =	ssyncadd.s32 $0xFFFFF800  }
0xf1: {  	[spmem:s2] =	stream.indirect.scatter.add.f32 [tilespmem:s8], [sflag:$0x1], $0x10, s24, s9, $0xb8;
	[tilespmem:$0x3710] =	vst v63  }
0xf2: {  	_ =	swait.ge [sflag:s7], $0x800  }
0xf3: {  	[sflag:s7] =	ssyncset.done $0x0  }
0xf4: {  	[sflag:s7] =	ssyncadd.s32 $0xFFFFF800  }
0xf5: {  	[spmem:s2] =	stream.indirect.scatter.add.f32 [tilespmem:s8], [sflag:$0x1], $0x10, s23, s9, $0xb8;
	[tilespmem:$0x3710] =	vst v63  }
0xf6: {  	_ =	swait.ge [sflag:s7], $0x800  }
0xf7: {  	[sflag:s7] =	ssyncset.done $0x0  }
0xf8: {  	[sflag:s7] =	ssyncadd.s32 $0xFFFFF800  }
0xf9: {  	[spmem:s2] =	stream.indirect.scatter.add.f32 [tilespmem:s8], [sflag:$0x1], $0x10, s21, s9, $0xb8;
	[tilespmem:$0x3710] =	vst v63  }
0xfa: {  	_ =	swait.ge [sflag:s7], $0x800  }
0xfb: {  	[sflag:s7] =	ssyncset.done $0x0  }
0xfc: {  	[sflag:s7] =	ssyncadd.s32 $0xFFFFF800  }
0xfd: {  	[spmem:s2] =	stream.indirect.scatter.add.f32 [tilespmem:s8], [sflag:$0x1], $0x10, s20, s9, $0xb8;
	[tilespmem:$0x3710] =	vst v63  }
0xfe: {  	_ =	swait.ge [sflag:s7], $0x800  }
0xff: {  	[sflag:s7] =	ssyncset.done $0x0  }
0x100: {  	[sflag:s7] =	ssyncadd.s32 $0xFFFFF800  }
0x101: {  	[spmem:s2] =	stream.indirect.scatter.add.f32 [tilespmem:s8], [sflag:$0x1], $0x10, s19, s9, $0xb8;
	[tilespmem:$0x3710] =	vst v63  }
0x102: {  	_ =	swait.ge [sflag:s7], $0x800  }
0x103: {  	[sflag:s7] =	ssyncset.done $0x0  }
0x104: {  	[sflag:s7] =	ssyncadd.s32 $0xFFFFF800  }
0x105: {  	[spmem:s2] =	stream.indirect.scatter.add.f32 [tilespmem:s8], [sflag:$0x1], $0x10, s18, s9, $0xb8;
	[tilespmem:$0x3710] =	vst v63  }
0x106: {  	_ =	swait.ge [sflag:s7], $0x800  }
0x107: {  	[sflag:s7] =	ssyncset.done $0x0  }
0x108: {  	[sflag:s7] =	ssyncadd.s32 $0xFFFFF800  }
0x109: {  	[spmem:s2] =	stream.indirect.scatter.add.f32 [tilespmem:s8], [sflag:$0x1], $0x10, s17, s9, $0xb8;
	[tilespmem:$0x3710] =	vst v63  }
0x10a: {  	_ =	swait.ge [sflag:s7], $0x800  }
0x10b: {  	[sflag:s7] =	ssyncset.done $0x0  }
0x10c: {  	[sflag:s7] =	ssyncadd.s32 $0xFFFFF800  }
0x10d: {  	[spmem:s2] =	stream.indirect.scatter.add.f32 [tilespmem:s8], [sflag:$0x1], $0x10, s16, s9, $0xb8;
	[tilespmem:$0x3710] =	vst v63  }
0x10e: {  	_ =	swait.ge [sflag:s7], $0x800  }
0x10f: {  	[sflag:s7] =	ssyncset.done $0x0  }
0x110: {  	[sflag:s7] =	ssyncadd.s32 $0xFFFFF800  }
0x111: {  	[spmem:s2] =	stream.indirect.scatter.add.f32 [tilespmem:s8], [sflag:$0x1], $0x10, s14, s9, $0xb8;
	[tilespmem:$0x3710] =	vst v63  }
0x112: {  	_ =	swait.ge [sflag:s7], $0x800  }
0x113: {  	[sflag:s7] =	ssyncset.done $0x0  }
0x114: {  	[sflag:s7] =	ssyncadd.s32 $0xFFFFF800  }
0x115: {  	[spmem:s2] =	stream.indirect.scatter.add.f32 [tilespmem:s8], [sflag:$0x1], $0x10, s15, s9, $0xb8;
	[tilespmem:$0x3710] =	vst v63  }
0x116: {  	_ =	swait.ge [sflag:s7], $0x800  }
0x117: {  	[sflag:s7] =	ssyncset.done $0x0  }
0x118: {  	[sflag:s7] =	ssyncadd.s32 $0xFFFFF800  }
0x119: {  	[spmem:s2] =	stream.indirect.scatter.add.f32 [tilespmem:s8], [sflag:$0x1], $0x10, s13, s9, $0xb8;
	[tilespmem:$0x3710] =	vst v63  }
0x11a: {  	_ =	swait.ge [sflag:s7], $0x800  }
0x11b: {  	[sflag:s7] =	ssyncset.done $0x0  }
0x11c: {  	[sflag:s7] =	ssyncadd.s32 $0xFFFFF800  }
0x11d: {  	[spmem:s2] =	stream.indirect.scatter.add.f32 [tilespmem:s8], [sflag:$0x1], $0x10, s11, s9, $0xb8;
	[tilespmem:$0x3710] =	vst v63  }
0x11e: {  	_ =	swait.ge [sflag:s7], $0x800  }
0x11f: {  	[sflag:s7] =	ssyncset.done $0x0  }
0x120: {  	[sflag:s7] =	ssyncadd.s32 $0xFFFFF800  }
0x121: {  	[bflag:$0x0] =	sbarrier.arrive $0xFFFF  }
0x122: {  	[hbm:s4], [sflag:s29] =	dma.local @p0 [spmem:s6], $0x320  }
0x123: {  	_ =	swait.ge @p0 [sflag:s0], $0x320  }
0x124: {  	[sflag:s0] =	ssyncset.done @p0 $0x0  }
0x125: {  	[sflag:s0] =	ssyncadd.s32 @p0 $0xFFFFFCE0  }
0x126: {  	[hbm:s3], [sflag:s5] =	dma.local @!p0 [spmem:s10], $0x500  }
0x127: {  	_ =	swait.ge @!p0 [sflag:s22], $0x500  }
0x128: {  	[sflag:s22] =	ssyncset.done @!p0 $0x0  }
0x129: {  	[sflag:s22] =	ssyncadd.s32 @!p0 $0xFFFFFB00  }
0x12a: {  	_ =	sfence.sel $0x180000  }
0x12b: {  	[bflag:$0x0] =	sbarrier.arrive $0xFFFF  }
0x12c: {  	p0 =	sne.s32 s31, $0x0;
	_ =	strace $0x90000047  }
0x12d: {  	s0 =	sadd.s32 @!p0 $0x100000, s30;
	[bflag:$0x2] =	sbarrier.arrive $0xFFFF  }
0x12e: {  	[sflag:s0] =	ssyncadd.tile.s32 @!p0 $0x1;
	_ =	shalt  }
.LBB2_2:
.Ltmp3:
0x12f: {  	(pc) =	sbr.rel .LBB2_5-.Ltmp3, $2  }
0x130: {  	_ =	sdelay $0x2  }
0x131: {  	s30 =	rddreg [dreg:$0x3];
	s31 =	stileid.u32  }
.Lfunc_end2:
_tile_overlayer_lowered:
.L_overlay_start_2:
0x132: {  	(tag) =	ssettag $0x2  }
0x133: {  	s0 =	rddreg [dreg:$0x0];
	s2 =	stileid.u32  }
0x134: {  	s1 =	rddreg [dreg:$0x1];
	p0 =	sne.s32 s2, $0x0  }
0x135: {  	s3 =	rddreg [dreg:$0x2];
	[bflag:$0x3] =	sbarrier.arrive $0xFFFF;
	s2 =	simm.s32 @!p0 $0x1C01  }
0x136: {  	[timem:s3], [sflag:s2] =	dma.local @!p0 [hbm:s0], s1  }
0x137: {  	s0 =	simm.s32 @!p0 $0x1  }
0x138: {  	_ =	swait.ge @!p0 [sflag:s0], s1  }
0x139: {  	s1 =	ssub.s32 @!p0 $0x0, s1;
	[sflag:s0] =	ssyncset.done @!p0 $0x0  }
0x13a: {  	[sflag:s0] =	ssyncadd.s32 @!p0 s1  }
0x13b: {  	[bflag:$0x3] =	sbarrier.arrive $0xFFFF  }
0x13c: {  	_ =	shalt  }

</sc_bundles>
